<compile_context>
chip_gen: v7x
topology: tpu7x:2x2x1
jax: 0.10.2.dev20260603
libtpu: 0.0.44.dev20260713+nightly
codegen_flags: <defaults>
</compile_context>

<pallas_src>
import functools

import jax
import jax.numpy as jnp
from jax import lax
from jax.experimental import pallas as pl
from jax.experimental.pallas import tpu as pltpu
from jax.experimental.pallas import tpu_sc as plsc

NN = 10000
EE = 160000
HH = 4
OUT = 64
DEDGE = 6
INDIM = 42

ROWS = 1000
NGRID = NN // ROWS

CH = 128
NCHUNK_A = EE // CH
EPC = EE // 2
NCHUNK_B = EPC // CH
NSUB = 16
RBIG = 632
RLAST = NN - 15 * RBIG


def _per_tile_rows(s, do):
    pl.when(s < 15)(lambda: do(s * RBIG, RBIG))
    pl.when(s == 15)(lambda: do(15 * RBIG, RLAST))



def _rep16(col):
    return jnp.broadcast_to(col, (col.shape[0], 16))


def _tc1_body(x_ref, fcw_ref, al_ref, ar_ref, flo_ref, fhi_ref,
              elq_lo_ref, elq_hi_ref, erq_lo_ref, erq_hi_ref):
    fb = jnp.dot(x_ref[...], fcw_ref[...], preferred_element_type=jnp.float32)
    flo_ref[...] = fb[:, :128]
    fhi_ref[...] = fb[:, 128:]
    el = jnp.dot(fb, al_ref[...], preferred_element_type=jnp.float32)
    er = jnp.dot(fb, ar_ref[...], preferred_element_type=jnp.float32)
    elq_lo_ref[...] = jnp.concatenate(
        [_rep16(el[:, 0:1]), _rep16(el[:, 1:2])], axis=1)
    elq_hi_ref[...] = jnp.concatenate(
        [_rep16(el[:, 2:3]), _rep16(el[:, 3:4])], axis=1)
    erq_lo_ref[...] = jnp.concatenate(
        [_rep16(er[:, 0:1]), _rep16(er[:, 1:2])], axis=1)
    erq_hi_ref[...] = jnp.concatenate(
        [_rep16(er[:, 2:3]), _rep16(er[:, 3:4])], axis=1)


def _tc1(x, fc_W, A_l, A_r):
    q = pl.BlockSpec((ROWS, 32), lambda i: (i, 0))
    qs = jax.ShapeDtypeStruct((NN, 32), jnp.float32)
    return pl.pallas_call(
        _tc1_body,
        grid=(NGRID,),
        in_specs=[
            pl.BlockSpec((ROWS, INDIM), lambda i: (i, 0)),
            pl.BlockSpec((INDIM, HH * OUT), lambda i: (0, 0)),
            pl.BlockSpec((HH * OUT, HH), lambda i: (0, 0)),
            pl.BlockSpec((HH * OUT, HH), lambda i: (0, 0)),
        ],
        out_specs=[
            pl.BlockSpec((ROWS, 128), lambda i: (i, 0)),
            pl.BlockSpec((ROWS, 128), lambda i: (i, 0)),
            q, q, q, q,
        ],
        out_shape=[
            jax.ShapeDtypeStruct((NN, 128), jnp.float32),
            jax.ShapeDtypeStruct((NN, 128), jnp.float32),
            qs, qs, qs, qs,
        ],
    )(x, fc_W, A_l, A_r)


def _ea_body(ea_in_ref, w_ref, out_ref):
    out_ref[...] = jnp.dot(ea_in_ref[...], w_ref[...],
                           preferred_element_type=jnp.float32)


def _ea_proj(edge_attr, W1b):
    eb = 2000
    return pl.pallas_call(
        _ea_body,
        grid=(EE // eb,),
        in_specs=[
            pl.BlockSpec((eb, DEDGE), lambda i: (i, 0)),
            pl.BlockSpec((DEDGE, OUT), lambda i: (0, 0)),
        ],
        out_specs=pl.BlockSpec((eb, OUT), lambda i: (i, 0)),
        out_shape=jax.ShapeDtypeStruct((EE, OUT), jnp.float32),
    )(edge_attr, W1b)


def _tc2_body(rlo_ref, rhi_ref, aux0_ref, aux1_ref,
              fw_ref, fb_ref, w1a_ref, b1_ref, ft_ref, g_ref):
    rlo = rlo_ref[...]
    rhi = rhi_ref[...]
    a0 = aux0_ref[...]
    a1 = aux1_ref[...]
    q0 = rlo[:, :64] / (a0[:, 0:1] + 1e-9)
    q1 = rlo[:, 64:] / (a0[:, 6:7] + 1e-9)
    q2 = rhi[:, :64] / (a1[:, 0:1] + 1e-9)
    q3 = rhi[:, 64:] / (a1[:, 6:7] + 1e-9)
    u = jnp.concatenate([q0, q1, q2, q3], axis=1)
    u = jnp.where(u > 0, u, 0.01 * u)
    ft = jnp.dot(u, fw_ref[...], preferred_element_type=jnp.float32) + fb_ref[...]
    ft_ref[...] = ft
    g_ref[...] = jnp.dot(ft, w1a_ref[...],
                         preferred_element_type=jnp.float32) + b1_ref[...]


def _tc2(rstT, auxT, full_W, full_b, W1a, lin1_b):
    return pl.pallas_call(
        _tc2_body,
        grid=(NGRID,),
        in_specs=[
            pl.BlockSpec((ROWS, 128), lambda i: (i, 0)),
            pl.BlockSpec((ROWS, 128), lambda i: (i + NGRID, 0)),
            pl.BlockSpec((ROWS, 16), lambda i: (i, 0)),
            pl.BlockSpec((ROWS, 16), lambda i: (i + NGRID, 0)),
            pl.BlockSpec((HH * OUT, OUT), lambda i: (0, 0)),
            pl.BlockSpec((1, OUT), lambda i: (0, 0)),
            pl.BlockSpec((OUT, OUT), lambda i: (0, 0)),
            pl.BlockSpec((1, OUT), lambda i: (0, 0)),
        ],
        out_specs=[
            pl.BlockSpec((ROWS, OUT), lambda i: (i, 0)),
            pl.BlockSpec((ROWS, OUT), lambda i: (i, 0)),
        ],
        out_shape=[
            jax.ShapeDtypeStruct((NN, OUT), jnp.float32),
            jax.ShapeDtypeStruct((NN, OUT), jnp.float32),
        ],
    )(rstT, rstT, auxT, auxT, full_W, full_b, W1a, lin1_b)


def _tc3_body(ft_ref, aux0_ref, h0_ref, h1_ref, w2a_ref, w2b_ref, b2_ref, o_ref):
    cnt = aux0_ref[...][:, 12:13]
    mx = jnp.maximum(cnt, 1.0)
    hf1 = ft_ref[...] * (cnt / mx)
    hf2 = (h0_ref[...] + h1_ref[...]) / mx
    acc = (jnp.dot(hf1, w2a_ref[...], preferred_element_type=jnp.float32)
           + jnp.dot(hf2, w2b_ref[...], preferred_element_type=jnp.float32)
           + b2_ref[...])
    o_ref[...] = jnp.tanh(acc)


def _tc3(ft, auxT, hsumT, W2a, W2b, lin2_b):
    return pl.pallas_call(
        _tc3_body,
        grid=(NGRID,),
        in_specs=[
            pl.BlockSpec((ROWS, OUT), lambda i: (i, 0)),
            pl.BlockSpec((ROWS, 16), lambda i: (i, 0)),
            pl.BlockSpec((ROWS, OUT), lambda i: (i, 0)),
            pl.BlockSpec((ROWS, OUT), lambda i: (i + NGRID, 0)),
            pl.BlockSpec((OUT, OUT), lambda i: (0, 0)),
            pl.BlockSpec((OUT, OUT), lambda i: (0, 0)),
            pl.BlockSpec((1, OUT), lambda i: (0, 0)),
        ],
        out_specs=pl.BlockSpec((ROWS, OUT), lambda i: (i, 0)),
        out_shape=jax.ShapeDtypeStruct((NN, OUT), jnp.float32),
    )(ft, auxT, hsumT, hsumT, W2a, W2b, lin2_b)



_MESH = plsc.VectorSubcoreMesh(core_axis_name="c", subcore_axis_name="s")
_SC_PARAMS = pltpu.CompilerParams(use_tc_tiling_on_sc=False)


def _sca_body(featT, elq, erq, srcE, dstE, zf, za,
              rstT, auxT,
              elbuf, erbuf, srcb, dstb, gidx, gidxd, featb, wext,
              acc, aux, sem):
    c = lax.axis_index("c")
    s = lax.axis_index("s")

    def _zero(rb, nr):
        pltpu.sync_copy(zf.at[pl.ds(rb, nr)], acc.at[pl.ds(rb, nr)])
        pltpu.sync_copy(za.at[pl.ds(rb, nr)], aux.at[pl.ds(rb, nr)])

    _per_tile_rows(s, _zero)
    plsc.subcore_barrier()

    cN = c * NN
    lane = lax.iota(jnp.int32, 16)
    cvec = jnp.zeros((16,), jnp.float32) + (1.0 - c.astype(jnp.float32))

    def _chunk(k, _):
        g = s + 16 * k
        eb = g * CH
        pltpu.sync_copy(srcE.at[pl.ds(eb, CH)], srcb)
        pltpu.sync_copy(dstE.at[pl.ds(eb, CH)], dstb)

        def _gidx(i, _):
            gidx[pl.ds(i * 16, 16)] = srcb[pl.ds(i * 16, 16)] + cN
            gidxd[pl.ds(i * 16, 16)] = dstb[pl.ds(i * 16, 16)] + cN
            return 0

        lax.fori_loop(0, CH // 16, _gidx, 0)
        cp1 = pltpu.async_copy(featT.at[gidx], featb, sem)
        cp2 = pltpu.async_copy(elq.at[gidx], elbuf, sem)
        cp3 = pltpu.async_copy(erq.at[gidxd], erbuf, sem)
        cp1.wait()
        cp2.wait()
        cp3.wait()

        def _edge(e, _):
            t0 = elbuf[e, pl.ds(0, 16)] + erbuf[e, pl.ds(0, 16)]
            w0 = jnp.exp(jnp.maximum(t0, 0.2 * t0))
            t1 = elbuf[e, pl.ds(16, 16)] + erbuf[e, pl.ds(16, 16)]
            w1 = jnp.exp(jnp.maximum(t1, 0.2 * t1))
            wext[e, pl.ds(0, 16)] = jnp.where(
                lane < 6, w0, jnp.where(lane < 12, w1, cvec))
            for kk in range(4):
                featb[e, pl.ds(kk * 16, 16)] = featb[e, pl.ds(kk * 16, 16)] * w0
            for kk in range(4, 8):
                featb[e, pl.ds(kk * 16, 16)] = featb[e, pl.ds(kk * 16, 16)] * w1
            return 0

        lax.fori_loop(0, CH, _edge, 0)
        pltpu.sync_copy(featb, acc.at[dstb], add=True)
        pltpu.sync_copy(wext, aux.at[dstb], add=True)
        return 0

    nk = (NCHUNK_A - 1 - s) // 16 + 1
    lax.fori_loop(0, nk, _chunk, 0)
    plsc.subcore_barrier()

    def _writeback(rb, nr):
        ob = cN + rb
        pltpu.sync_copy(acc.at[pl.ds(rb, nr)], rstT.at[pl.ds(ob, nr)])
        pltpu.sync_copy(aux.at[pl.ds(rb, nr)], auxT.at[pl.ds(ob, nr)])

    _per_tile_rows(s, _writeback)


@functools.partial(
    pl.kernel,
    out_type=[
        jax.ShapeDtypeStruct((2 * NN, 128), jnp.float32),
        jax.ShapeDtypeStruct((2 * NN, 16), jnp.float32),
    ],
    mesh=_MESH,
    compiler_params=_SC_PARAMS,
    scratch_types=[
        pltpu.VMEM((CH, 32), jnp.float32),
        pltpu.VMEM((CH, 32), jnp.float32),
        pltpu.VMEM((CH,), jnp.int32),
        pltpu.VMEM((CH,), jnp.int32),
        pltpu.VMEM((CH,), jnp.int32),
        pltpu.VMEM((CH,), jnp.int32),
        pltpu.VMEM((CH, 128), jnp.float32),
        pltpu.VMEM((CH, 16), jnp.float32),
        pltpu.VMEM_SHARED((NN, 128), jnp.float32),
        pltpu.VMEM_SHARED((NN, 16), jnp.float32),
        pltpu.SemaphoreType.DMA,
    ],
)
def _sc_pass_a(*args):
    _sca_body(*args)


def _scb_body(gtab, ea, srcE, dstE, zh, hsumT,
              srcb, dstb, gbuf, eabuf, hacc, sem):
    c = lax.axis_index("c")
    s = lax.axis_index("s")

    _per_tile_rows(s, lambda rb, nr: pltpu.sync_copy(
        zh.at[pl.ds(rb, nr)], hacc.at[pl.ds(rb, nr)]))
    plsc.subcore_barrier()

    def _chunk(k, _):
        g = s + 16 * k
        eb = c * EPC + g * CH
        pltpu.sync_copy(srcE.at[pl.ds(eb, CH)], srcb)
        pltpu.sync_copy(dstE.at[pl.ds(eb, CH)], dstb)
        pltpu.async_copy(gtab.at[srcb], gbuf, sem).wait()
        pltpu.sync_copy(ea.at[pl.ds(eb, CH)], eabuf)

        def _tanh_row(e, _):
            for kk in range(4):
                v = gbuf[e, pl.ds(kk * 16, 16)] + eabuf[e, pl.ds(kk * 16, 16)]
                y = jnp.exp(v + v)
                gbuf[e, pl.ds(kk * 16, 16)] = 1.0 - 2.0 / (y + 1.0)
            return 0

        lax.fori_loop(0, CH, _tanh_row, 0)
        pltpu.sync_copy(gbuf, hacc.at[dstb], add=True)
        return 0

    nk = (NCHUNK_B - 1 - s) // 16 + 1
    lax.fori_loop(0, nk, _chunk, 0)
    plsc.subcore_barrier()
    _per_tile_rows(s, lambda rb, nr: pltpu.sync_copy(
        hacc.at[pl.ds(rb, nr)], hsumT.at[pl.ds(c * NN + rb, nr)]))


@functools.partial(
    pl.kernel,
    out_type=jax.ShapeDtypeStruct((2 * NN, OUT), jnp.float32),
    mesh=_MESH,
    compiler_params=_SC_PARAMS,
    scratch_types=[
        pltpu.VMEM((CH,), jnp.int32),
        pltpu.VMEM((CH,), jnp.int32),
        pltpu.VMEM((CH, OUT), jnp.float32),
        pltpu.VMEM((CH, OUT), jnp.float32),
        pltpu.VMEM_SHARED((NN, OUT), jnp.float32),
        pltpu.SemaphoreType.DMA,
    ],
)
def _sc_pass_b(*args):
    _scb_body(*args)



def kernel(x, edge_index, edge_attr, fc_W, attn_l, attn_r, full_W, full_b,
           lin1_W, lin1_b, lin2_W, lin2_b):
    src = edge_index[0]
    dst = edge_index[1]
    eye = jnp.eye(HH, dtype=jnp.float32)
    A_l = (attn_l[0][:, :, None] * eye[:, None, :]).reshape(HH * OUT, HH)
    A_r = (attn_r[0][:, :, None] * eye[:, None, :]).reshape(HH * OUT, HH)
    W1a = lin1_W[:OUT]
    W1b = lin1_W[OUT:]
    W2a = lin2_W[:OUT]
    W2b = lin2_W[OUT:]
    fb2 = full_b.reshape(1, OUT)
    b1 = lin1_b.reshape(1, OUT)
    b2 = lin2_b.reshape(1, OUT)
    zf = jnp.zeros((NN, 128), jnp.float32)
    za = jnp.zeros((NN, 16), jnp.float32)
    zh = jnp.zeros((NN, OUT), jnp.float32)

    flo, fhi, elq_lo, elq_hi, erq_lo, erq_hi = _tc1(x, fc_W, A_l, A_r)
    featT = jnp.concatenate([flo, fhi], axis=0)
    elq = jnp.concatenate([elq_lo, elq_hi], axis=0)
    erq = jnp.concatenate([erq_lo, erq_hi], axis=0)
    ea = _ea_proj(edge_attr, W1b)
    rstT, auxT = _sc_pass_a(featT, elq, erq, src, dst, zf, za)
    ft, g = _tc2(rstT, auxT, full_W, fb2, W1a, b1)
    hsumT = _sc_pass_b(g, ea, src, dst, zh)
    return _tc3(ft, auxT, hsumT, W2a, W2b, b2)

# --- scband reference (transcript-rebuilt; emitter-appended) ---
"""Pipeline reference for scband-gasa-classifier-35261681500382 (READ-ONLY COPY).

The authoritative reference and input builder live on the scoring server;
editing this copy changes nothing except your own understanding.
"""

import jax, jax.numpy as jnp
import numpy as np

N = 10000
E = 160000
IN_DIM = 42
H = 4
OUT = 64
D_EDGE = 6
DIM = 64


def setup_inputs(seed: int = 0):
    key = jax.random.key(seed)
    ks = jax.random.split(key, 9)
    x = jax.random.normal(ks[0], (N, IN_DIM), dtype=jnp.float32)
    edge_index = jax.random.randint(ks[1], (2, E), 0, N, dtype=jnp.int32)
    edge_attr = jax.random.normal(ks[2], (E, D_EDGE), dtype=jnp.float32)

    def xavier(k, shape):
        std = np.sqrt(2.0) * np.sqrt(2.0 / (shape[0] + shape[1]))
        return jax.random.normal(k, shape, dtype=jnp.float32) * std

    fc_W = xavier(ks[3], (IN_DIM, H * OUT))
    attn_l = jax.random.normal(ks[4], (1, H, OUT), dtype=jnp.float32) * 0.1
    attn_r = jax.random.normal(ks[5], (1, H, OUT), dtype=jnp.float32) * 0.1
    full_W = xavier(ks[6], (H * OUT, OUT))
    full_b = jnp.zeros((OUT,), jnp.float32)
    lin1_W = xavier(ks[7], (OUT + D_EDGE, OUT))
    lin1_b = jnp.zeros((OUT,), jnp.float32)
    lin2_W = xavier(ks[8], (2 * OUT, DIM))
    lin2_b = jnp.zeros((DIM,), jnp.float32)
    return {"x": x, "edge_index": edge_index, "edge_attr": edge_attr,
            "fc_W": fc_W, "attn_l": attn_l, "attn_r": attn_r,
            "full_W": full_W, "full_b": full_b,
            "lin1_W": lin1_W, "lin1_b": lin1_b,
            "lin2_W": lin2_W, "lin2_b": lin2_b}


def reference(x, edge_index, edge_attr, fc_W, attn_l, attn_r, full_W, full_b, lin1_W, lin1_b, lin2_W, lin2_b):
    src = edge_index[0]
    dst = edge_index[1]
    # GAT-style multi-head attention (u_add_v -> leaky_relu -> edge_softmax -> u_mul_e -> sum)
    feat = (x @ fc_W).reshape(-1, H, OUT)          # [N, H, OUT]
    el = (feat * attn_l).sum(axis=-1)              # [N, H]
    er = (feat * attn_r).sum(axis=-1)              # [N, H]
    e = el[src] + er[dst]                          # [E, H]
    e = jnp.where(e > 0, e, 0.2 * e)               # LeakyReLU(0.2)
    emax = jax.ops.segment_max(e, dst, num_segments=N)
    emax = jnp.where(jnp.isfinite(emax), emax, 0.0)
    ee = jnp.exp(e - emax[dst])
    esum = jax.ops.segment_sum(ee, dst, num_segments=N)
    a = ee / (esum[dst] + 1e-9)                    # edge_softmax over incoming edges
    m = feat[src] * a[:, :, None]                  # [E, H, OUT]
    rst = jax.ops.segment_sum(m, dst, num_segments=N)  # [N, H, OUT]
    new = jnp.where(rst > 0, rst, 0.01 * rst).reshape(N, H * OUT)  # F.leaky_relu default 0.01, flatten
    ft = new @ full_W + full_b                     # [N, OUT]
    # edge update 1: he1 = tanh(W1 [h_src || e_feat])
    he1 = jnp.tanh(jnp.concatenate([ft[src], edge_attr], axis=1) @ lin1_W + lin1_b)  # [E, OUT]
    # edge update 2: he2 = [h_dst || he1], then mean-aggregate to dst nodes
    he2 = jnp.concatenate([ft[dst], he1], axis=1)  # [E, 2*OUT]
    cnt = jax.ops.segment_sum(jnp.ones((E,), jnp.float32), dst, num_segments=N)
    hf = jax.ops.segment_sum(he2, dst, num_segments=N) / jnp.maximum(cnt, 1.0)[:, None]
    global_g = jnp.tanh(hf @ lin2_W + lin2_b)      # [N, DIM]
    return global_g

if __name__ == "__main__":
    import jax
    _d = setup_inputs()
    print(jax.jit(kernel)(*tuple(_d.values())))

</pallas_src>

<mosaic_0001>
#map = affine_map<(d0, d1) -> (0, 0)>
#map1 = affine_map<(d0, d1) -> (0)>
module attributes {stable_mosaic.version = 14 : i64} {
  func.func @_sc_pass_b(%arg0: i32, %arg1: i32, %arg2: memref<10000x64xf32, #tpu.memory_space<hbm>>, %arg3: memref<160000x64xf32, #tpu.memory_space<hbm>>, %arg4: memref<160000xi32, #tpu.memory_space<hbm>>, %arg5: memref<160000xi32, #tpu.memory_space<hbm>>, %arg6: memref<10000x64xf32, #tpu.memory_space<hbm>>, %arg7: memref<20000x64xf32, #tpu.memory_space<hbm>>, %arg8: memref<128xi32, #tpu.memory_space<vmem>>, %arg9: memref<128xi32, #tpu.memory_space<vmem>>, %arg10: memref<128x64xf32, #tpu.memory_space<vmem>>, %arg11: memref<128x64xf32, #tpu.memory_space<vmem>>, %arg12: memref<10000x64xf32, #tpu.memory_space<vmem_shared>>, %arg13: memref<!tpu.dma_semaphore, #tpu.memory_space<semaphore_mem>>) attributes {dimension_semantics = [#tpu.dimension_semantics<core_parallel>, #tpu.dimension_semantics<subcore_parallel>], iteration_bounds = array<i64: 2, 16>, scalar_prefetch = 0 : i64, scratch_operands = 6 : i64, tpu.core_type = #tpu.core_type<sc_vector_subcore>, window_params = [{transform_indices = #map}, {transform_indices = #map}, {transform_indices = #map1}, {transform_indices = #map1}, {transform_indices = #map}, {transform_indices = #map}]} {
    %lt3A = arith.constant 15 : i32
    %lt3A_0 = arith.cmpi slt, %arg1, %lt3A : i32
    %convert_element_type3A = arith.extui %lt3A_0 : i1 to i32
    %cond3A = arith.constant 0 : i32
    %cond3A_1 = arith.cmpi ne, %convert_element_type3A, %cond3A : i32
    scf.if %cond3A_1 {
      %mul3A = arith.constant 632 : i32
      %mul3A_47 = arith.muli %arg1, %mul3A : i32
      "tpu.region"() ({
        %run_scoped3A = tpu.sem_alloc : memref<!tpu.dma_semaphore, #tpu.memory_space<semaphore_mem>>
        %dma_start3A = arith.constant 0 : i32
        %dma_start3A_48 = tpu.memref_slice %arg12[%mul3A_47, %dma_start3A] : memref<10000x64xf32, #tpu.memory_space<vmem_shared>> -> memref<632x64xf32, #tpu.memory_space<vmem_shared>>
        %dma_start3A_49 = arith.constant 0 : i32
        %dma_start3A_50 = tpu.memref_slice %arg6[%mul3A_47, %dma_start3A_49] : memref<10000x64xf32, #tpu.memory_space<hbm>> -> memref<632x64xf32, #tpu.memory_space<hbm>>
        tpu.enqueue_dma source(%dma_start3A_50 : memref<632x64xf32, #tpu.memory_space<hbm>>) target(%dma_start3A_48 : memref<632x64xf32, #tpu.memory_space<vmem_shared>>) target_semaphore(%run_scoped3A : memref<!tpu.dma_semaphore, #tpu.memory_space<semaphore_mem>>)
        %dma_wait3A = arith.constant 0 : i32
        %dma_wait3A_51 = tpu.memref_slice %arg12[%mul3A_47, %dma_wait3A] : memref<10000x64xf32, #tpu.memory_space<vmem_shared>> -> memref<632x64xf32, #tpu.memory_space<vmem_shared>>
        %dma_wait3A_52 = arith.constant 0 : i32
        %dma_wait3A_53 = tpu.memref_slice %arg6[%mul3A_47, %dma_wait3A_52] : memref<10000x64xf32, #tpu.memory_space<hbm>> -> memref<632x64xf32, #tpu.memory_space<hbm>>
        tpu.wait_dma2 semaphore(%run_scoped3A : memref<!tpu.dma_semaphore, #tpu.memory_space<semaphore_mem>>) src(%dma_wait3A_53 : memref<632x64xf32, #tpu.memory_space<hbm>>) dst(%dma_wait3A_51 : memref<632x64xf32, #tpu.memory_space<vmem_shared>>)
        tpu.yield
      }) : () -> ()
    } else {
    }
    %eq3A = arith.constant 15 : i32
    %eq3A_2 = arith.cmpi eq, %arg1, %eq3A : i32
    %convert_element_type3A_3 = arith.extui %eq3A_2 : i1 to i32
    %cond3A_4 = arith.constant 0 : i32
    %cond3A_5 = arith.cmpi ne, %convert_element_type3A_3, %cond3A_4 : i32
    scf.if %cond3A_5 {
      "tpu.region"() ({
        %run_scoped3A = tpu.sem_alloc : memref<!tpu.dma_semaphore, #tpu.memory_space<semaphore_mem>>
        %dma_start3A = arith.constant 9480 : i32
        %dma_start3A_47 = arith.constant 0 : i32
        %dma_start3A_48 = tpu.memref_slice %arg12[%dma_start3A, %dma_start3A_47] : memref<10000x64xf32, #tpu.memory_space<vmem_shared>> -> memref<520x64xf32, #tpu.memory_space<vmem_shared>>
        %dma_start3A_49 = arith.constant 9480 : i32
        %dma_start3A_50 = arith.constant 0 : i32
        %dma_start3A_51 = tpu.memref_slice %arg6[%dma_start3A_49, %dma_start3A_50] : memref<10000x64xf32, #tpu.memory_space<hbm>> -> memref<520x64xf32, #tpu.memory_space<hbm>>
        tpu.enqueue_dma source(%dma_start3A_51 : memref<520x64xf32, #tpu.memory_space<hbm>>) target(%dma_start3A_48 : memref<520x64xf32, #tpu.memory_space<vmem_shared>>) target_semaphore(%run_scoped3A : memref<!tpu.dma_semaphore, #tpu.memory_space<semaphore_mem>>)
        %dma_wait3A = arith.constant 9480 : i32
        %dma_wait3A_52 = arith.constant 0 : i32
        %dma_wait3A_53 = tpu.memref_slice %arg12[%dma_wait3A, %dma_wait3A_52] : memref<10000x64xf32, #tpu.memory_space<vmem_shared>> -> memref<520x64xf32, #tpu.memory_space<vmem_shared>>
        %dma_wait3A_54 = arith.constant 9480 : i32
        %dma_wait3A_55 = arith.constant 0 : i32
        %dma_wait3A_56 = tpu.memref_slice %arg6[%dma_wait3A_54, %dma_wait3A_55] : memref<10000x64xf32, #tpu.memory_space<hbm>> -> memref<520x64xf32, #tpu.memory_space<hbm>>
        tpu.wait_dma2 semaphore(%run_scoped3A : memref<!tpu.dma_semaphore, #tpu.memory_space<semaphore_mem>>) src(%dma_wait3A_56 : memref<520x64xf32, #tpu.memory_space<hbm>>) dst(%dma_wait3A_53 : memref<520x64xf32, #tpu.memory_space<vmem_shared>>)
        tpu.yield
      }) : () -> ()
    } else {
    }
    %barrier3A = arith.constant 0 : index
    tpu.barrier barrier_id(%barrier3A)
    %sub3A = arith.constant 624 : i32
    %sub3A_6 = arith.subi %sub3A, %arg1 : i32
    %jit3A = arith.constant 16 : i32
    %div3A = arith.divsi %sub3A_6, %jit3A : i32
    %sign3A = arith.constant 0 : i32
    %sign3A_7 = arith.cmpi sgt, %sub3A_6, %sign3A : i32
    %sign3A_8 = arith.extui %sign3A_7 : i1 to i32
    %sign3A_9 = arith.constant 0 : i32
    %sign3A_10 = arith.cmpi slt, %sub3A_6, %sign3A_9 : i32
    %sign3A_11 = arith.extui %sign3A_10 : i1 to i32
    %sign3A_12 = arith.subi %sign3A_8, %sign3A_11 : i32
    %sign3A_13 = arith.constant 0 : i32
    %sign3A_14 = arith.cmpi sgt, %jit3A, %sign3A_13 : i32
    %sign3A_15 = arith.extui %sign3A_14 : i1 to i32
    %sign3A_16 = arith.constant 0 : i32
    %sign3A_17 = arith.cmpi slt, %jit3A, %sign3A_16 : i32
    %sign3A_18 = arith.extui %sign3A_17 : i1 to i32
    %sign3A_19 = arith.subi %sign3A_15, %sign3A_18 : i32
    %ne3A = arith.cmpi ne, %sign3A_12, %sign3A_19 : i32
    %rem3A = arith.remsi %sub3A_6, %jit3A : i32
    %ne3A_20 = arith.constant 0 : i32
    %ne3A_21 = arith.cmpi ne, %rem3A, %ne3A_20 : i32
    %and3A = arith.andi %ne3A, %ne3A_21 : i1
    %sub3A_22 = arith.constant 1 : i32
    %sub3A_23 = arith.subi %div3A, %sub3A_22 : i32
    %select_n3A = arith.select %and3A, %sub3A_23, %div3A : i32
    %add3A = arith.constant 1 : i32
    %add3A_24 = arith.addi %select_n3A, %add3A : i32
    %while3A = arith.constant 0 : i32
    %while3A_25 = arith.constant 0 : i32
    %while3A_26 = arith.subi %add3A_24, %while3A : i32
    %while3A_27 = arith.addi %while3A, %while3A_26 : i32
    %while3A_28 = arith.constant 1 : i32
    %while3A_29 = arith.divsi %while3A_26, %while3A_28 : i32
    %while3A_30 = arith.muli %while3A_29, %while3A_28 : i32
    %while3A_31 = arith.addi %while3A, %while3A_30 : i32
    %while3A_32 = arith.constant 1 : i32
    %while3A_33 = scf.for %while3A_47 = %while3A to %while3A_31 step %while3A_32 iter_args(%while3A_48 = %while3A_25) -> (i32)  : i32 {
      %mul3A = arith.constant 16 : i32
      %mul3A_49 = arith.muli %mul3A, %while3A_47 : i32
      %add3A_50 = arith.addi %arg1, %mul3A_49 : i32
      %mul3A_51 = arith.constant 80000 : i32
      %mul3A_52 = arith.muli %arg0, %mul3A_51 : i32
      %mul3A_53 = arith.constant 128 : i32
      %mul3A_54 = arith.muli %add3A_50, %mul3A_53 : i32
      %add3A_55 = arith.addi %mul3A_52, %mul3A_54 : i32
      "tpu.region"() ({
        %run_scoped3A = tpu.sem_alloc : memref<!tpu.dma_semaphore, #tpu.memory_space<semaphore_mem>>
        %dma_start3A_67 = tpu.memref_slice %arg4[%add3A_55] : memref<160000xi32, #tpu.memory_space<hbm>> -> memref<128xi32, #tpu.memory_space<hbm>>
        %dma_start3A_68 = tpu.memref_slice %arg4[%add3A_55] : memref<160000xi32, #tpu.memory_space<hbm>> -> memref<128xi32, #tpu.memory_space<hbm>>
        tpu.enqueue_dma source(%dma_start3A_68 : memref<128xi32, #tpu.memory_space<hbm>>) target(%arg8 : memref<128xi32, #tpu.memory_space<vmem>>) target_semaphore(%run_scoped3A : memref<!tpu.dma_semaphore, #tpu.memory_space<semaphore_mem>>)
        %dma_wait3A_69 = tpu.memref_slice %arg4[%add3A_55] : memref<160000xi32, #tpu.memory_space<hbm>> -> memref<128xi32, #tpu.memory_space<hbm>>
        %dma_wait3A_70 = tpu.memref_slice %arg4[%add3A_55] : memref<160000xi32, #tpu.memory_space<hbm>> -> memref<128xi32, #tpu.memory_space<hbm>>
        tpu.wait_dma2 semaphore(%run_scoped3A : memref<!tpu.dma_semaphore, #tpu.memory_space<semaphore_mem>>) src(%dma_wait3A_70 : memref<128xi32, #tpu.memory_space<hbm>>) dst(%arg8 : memref<128xi32, #tpu.memory_space<vmem>>)
        tpu.yield
      }) : () -> ()
      "tpu.region"() ({
        %run_scoped3A = tpu.sem_alloc : memref<!tpu.dma_semaphore, #tpu.memory_space<semaphore_mem>>
        %dma_start3A_67 = tpu.memref_slice %arg5[%add3A_55] : memref<160000xi32, #tpu.memory_space<hbm>> -> memref<128xi32, #tpu.memory_space<hbm>>
        %dma_start3A_68 = tpu.memref_slice %arg5[%add3A_55] : memref<160000xi32, #tpu.memory_space<hbm>> -> memref<128xi32, #tpu.memory_space<hbm>>
        tpu.enqueue_dma source(%dma_start3A_68 : memref<128xi32, #tpu.memory_space<hbm>>) target(%arg9 : memref<128xi32, #tpu.memory_space<vmem>>) target_semaphore(%run_scoped3A : memref<!tpu.dma_semaphore, #tpu.memory_space<semaphore_mem>>)
        %dma_wait3A_69 = tpu.memref_slice %arg5[%add3A_55] : memref<160000xi32, #tpu.memory_space<hbm>> -> memref<128xi32, #tpu.memory_space<hbm>>
        %dma_wait3A_70 = tpu.memref_slice %arg5[%add3A_55] : memref<160000xi32, #tpu.memory_space<hbm>> -> memref<128xi32, #tpu.memory_space<hbm>>
        tpu.wait_dma2 semaphore(%run_scoped3A : memref<!tpu.dma_semaphore, #tpu.memory_space<semaphore_mem>>) src(%dma_wait3A_70 : memref<128xi32, #tpu.memory_space<hbm>>) dst(%arg9 : memref<128xi32, #tpu.memory_space<vmem>>)
        tpu.yield
      }) : () -> ()
      %dma_start3A = arith.constant 0 : i32
      %dma_start3A_56 = arith.constant 0 : i32
      %dma_start3A_57 = tpu.memref_slice %arg2[%dma_start3A, %dma_start3A_56] : memref<10000x64xf32, #tpu.memory_space<hbm>> -> memref<10000x64xf32, #tpu.memory_space<hbm>>
      tpu.enqueue_indirect_dma source(%dma_start3A_57 : memref<10000x64xf32, #tpu.memory_space<hbm>>) target(%arg10 : memref<128x64xf32, #tpu.memory_space<vmem>>) offsets(%arg8 : memref<128xi32, #tpu.memory_space<vmem>>) semaphore(%arg13 : memref<!tpu.dma_semaphore, #tpu.memory_space<semaphore_mem>>)
      %dma_wait3A = arith.constant 0 : i32
      %dma_wait3A_58 = arith.constant 0 : i32
      %dma_wait3A_59 = tpu.memref_slice %arg2[%dma_wait3A, %dma_wait3A_58] : memref<10000x64xf32, #tpu.memory_space<hbm>> -> memref<10000x64xf32, #tpu.memory_space<hbm>>
      tpu.wait_indirect_dma semaphore(%arg13 : memref<!tpu.dma_semaphore, #tpu.memory_space<semaphore_mem>>) src(%dma_wait3A_59 : memref<10000x64xf32, #tpu.memory_space<hbm>>) dst(%arg10 : memref<128x64xf32, #tpu.memory_space<vmem>>)
      "tpu.region"() ({
        %run_scoped3A = tpu.sem_alloc : memref<!tpu.dma_semaphore, #tpu.memory_space<semaphore_mem>>
        %dma_start3A_67 = arith.constant 0 : i32
        %dma_start3A_68 = tpu.memref_slice %arg3[%add3A_55, %dma_start3A_67] : memref<160000x64xf32, #tpu.memory_space<hbm>> -> memref<128x64xf32, #tpu.memory_space<hbm>>
        %dma_start3A_69 = arith.constant 0 : i32
        %dma_start3A_70 = tpu.memref_slice %arg3[%add3A_55, %dma_start3A_69] : memref<160000x64xf32, #tpu.memory_space<hbm>> -> memref<128x64xf32, #tpu.memory_space<hbm>>
        tpu.enqueue_dma source(%dma_start3A_70 : memref<128x64xf32, #tpu.memory_space<hbm>>) target(%arg11 : memref<128x64xf32, #tpu.memory_space<vmem>>) target_semaphore(%run_scoped3A : memref<!tpu.dma_semaphore, #tpu.memory_space<semaphore_mem>>)
        %dma_wait3A_71 = arith.constant 0 : i32
        %dma_wait3A_72 = tpu.memref_slice %arg3[%add3A_55, %dma_wait3A_71] : memref<160000x64xf32, #tpu.memory_space<hbm>> -> memref<128x64xf32, #tpu.memory_space<hbm>>
        %dma_wait3A_73 = arith.constant 0 : i32
        %dma_wait3A_74 = tpu.memref_slice %arg3[%add3A_55, %dma_wait3A_73] : memref<160000x64xf32, #tpu.memory_space<hbm>> -> memref<128x64xf32, #tpu.memory_space<hbm>>
        tpu.wait_dma2 semaphore(%run_scoped3A : memref<!tpu.dma_semaphore, #tpu.memory_space<semaphore_mem>>) src(%dma_wait3A_74 : memref<128x64xf32, #tpu.memory_space<hbm>>) dst(%arg11 : memref<128x64xf32, #tpu.memory_space<vmem>>)
        tpu.yield
      }) : () -> ()
      %scan3A = arith.constant 0 : i32
      %scan3A_60 = arith.constant 0 : i32
      %scan3A_61 = arith.constant 128 : i32
      %scan3A_62 = arith.addi %scan3A_60, %scan3A_61 : i32
      %scan3A_63 = arith.constant 1 : i32
      %scan3A_64 = scf.for %scan3A_67 = %scan3A_60 to %scan3A_62 step %scan3A_63 iter_args(%scan3A_68 = %scan3A) -> (i32)  : i32 {
        %get3A = arith.index_cast %scan3A_67 : i32 to index
        %get3A_69 = arith.constant 0 : index
        %get3A_70 = tpu.vector_load %arg10[%get3A, %get3A_69] {strides = array<i32>} : memref<128x64xf32, #tpu.memory_space<vmem>>, vector<1x16xf32>,
        %get3A_71 = vector.shape_cast %get3A_70 : vector<1x16xf32> to vector<16xf32>
        %get3A_72 = arith.index_cast %scan3A_67 : i32 to index
        %get3A_73 = arith.constant 0 : index
        %get3A_74 = tpu.vector_load %arg11[%get3A_72, %get3A_73] {strides = array<i32>} : memref<128x64xf32, #tpu.memory_space<vmem>>, vector<1x16xf32>,
        %get3A_75 = vector.shape_cast %get3A_74 : vector<1x16xf32> to vector<16xf32>
        %add3A_76 = arith.addf %get3A_71, %get3A_75 : vector<16xf32>
        %add3A_77 = arith.addf %add3A_76, %add3A_76 : vector<16xf32>
        %exp3A = math.exp %add3A_77 : vector<16xf32>
        %add3A_78 = arith.constant 1.000000e+00 : f32
        %add3A_79 = vector.broadcast %add3A_78 : f32 to vector<16xf32>
        %add3A_80 = arith.addf %exp3A, %add3A_79 : vector<16xf32>
        %div3A_81 = arith.constant 2.000000e+00 : f32
        %div3A_82 = vector.broadcast %div3A_81 : f32 to vector<16xf32>
        %div3A_83 = arith.divf %div3A_82, %add3A_80 : vector<16xf32>
        %sub3A_84 = arith.constant 1.000000e+00 : f32
        %sub3A_85 = vector.broadcast %sub3A_84 : f32 to vector<16xf32>
        %sub3A_86 = arith.subf %sub3A_85, %div3A_83 : vector<16xf32>
        %swap3A = arith.index_cast %scan3A_67 : i32 to index
        %swap3A_87 = arith.constant 0 : index
        %swap3A_88 = tpu.vector_load %arg10[%swap3A, %swap3A_87] {strides = array<i32>} : memref<128x64xf32, #tpu.memory_space<vmem>>, vector<1x16xf32>,
        %swap3A_89 = vector.shape_cast %swap3A_88 : vector<1x16xf32> to vector<16xf32>
        %swap3A_90 = vector.shape_cast %sub3A_86 : vector<16xf32> to vector<1x16xf32>
        tpu.vector_store %arg10[%swap3A, %swap3A_87], %swap3A_90 {strides = array<i32>} : memref<128x64xf32, #tpu.memory_space<vmem>>, vector<1x16xf32>,
        %get3A_91 = arith.index_cast %scan3A_67 : i32 to index
        %get3A_92 = arith.constant 16 : index
        %get3A_93 = tpu.vector_load %arg10[%get3A_91, %get3A_92] {strides = array<i32>} : memref<128x64xf32, #tpu.memory_space<vmem>>, vector<1x16xf32>,
        %get3A_94 = vector.shape_cast %get3A_93 : vector<1x16xf32> to vector<16xf32>
        %get3A_95 = arith.index_cast %scan3A_67 : i32 to index
        %get3A_96 = arith.constant 16 : index
        %get3A_97 = tpu.vector_load %arg11[%get3A_95, %get3A_96] {strides = array<i32>} : memref<128x64xf32, #tpu.memory_space<vmem>>, vector<1x16xf32>,
        %get3A_98 = vector.shape_cast %get3A_97 : vector<1x16xf32> to vector<16xf32>
        %add3A_99 = arith.addf %get3A_94, %get3A_98 : vector<16xf32>
        %add3A_100 = arith.addf %add3A_99, %add3A_99 : vector<16xf32>
        %exp3A_101 = math.exp %add3A_100 : vector<16xf32>
        %add3A_102 = arith.constant 1.000000e+00 : f32
        %add3A_103 = vector.broadcast %add3A_102 : f32 to vector<16xf32>
        %add3A_104 = arith.addf %exp3A_101, %add3A_103 : vector<16xf32>
        %div3A_105 = arith.constant 2.000000e+00 : f32
        %div3A_106 = vector.broadcast %div3A_105 : f32 to vector<16xf32>
        %div3A_107 = arith.divf %div3A_106, %add3A_104 : vector<16xf32>
        %sub3A_108 = arith.constant 1.000000e+00 : f32
        %sub3A_109 = vector.broadcast %sub3A_108 : f32 to vector<16xf32>
        %sub3A_110 = arith.subf %sub3A_109, %div3A_107 : vector<16xf32>
        %swap3A_111 = arith.index_cast %scan3A_67 : i32 to index
        %swap3A_112 = arith.constant 16 : index
        %swap3A_113 = tpu.vector_load %arg10[%swap3A_111, %swap3A_112] {strides = array<i32>} : memref<128x64xf32, #tpu.memory_space<vmem>>, vector<1x16xf32>,
        %swap3A_114 = vector.shape_cast %swap3A_113 : vector<1x16xf32> to vector<16xf32>
        %swap3A_115 = vector.shape_cast %sub3A_110 : vector<16xf32> to vector<1x16xf32>
        tpu.vector_store %arg10[%swap3A_111, %swap3A_112], %swap3A_115 {strides = array<i32>} : memref<128x64xf32, #tpu.memory_space<vmem>>, vector<1x16xf32>,
        %get3A_116 = arith.index_cast %scan3A_67 : i32 to index
        %get3A_117 = arith.constant 32 : index
        %get3A_118 = tpu.vector_load %arg10[%get3A_116, %get3A_117] {strides = array<i32>} : memref<128x64xf32, #tpu.memory_space<vmem>>, vector<1x16xf32>,
        %get3A_119 = vector.shape_cast %get3A_118 : vector<1x16xf32> to vector<16xf32>
        %get3A_120 = arith.index_cast %scan3A_67 : i32 to index
        %get3A_121 = arith.constant 32 : index
        %get3A_122 = tpu.vector_load %arg11[%get3A_120, %get3A_121] {strides = array<i32>} : memref<128x64xf32, #tpu.memory_space<vmem>>, vector<1x16xf32>,
        %get3A_123 = vector.shape_cast %get3A_122 : vector<1x16xf32> to vector<16xf32>
        %add3A_124 = arith.addf %get3A_119, %get3A_123 : vector<16xf32>
        %add3A_125 = arith.addf %add3A_124, %add3A_124 : vector<16xf32>
        %exp3A_126 = math.exp %add3A_125 : vector<16xf32>
        %add3A_127 = arith.constant 1.000000e+00 : f32
        %add3A_128 = vector.broadcast %add3A_127 : f32 to vector<16xf32>
        %add3A_129 = arith.addf %exp3A_126, %add3A_128 : vector<16xf32>
        %div3A_130 = arith.constant 2.000000e+00 : f32
        %div3A_131 = vector.broadcast %div3A_130 : f32 to vector<16xf32>
        %div3A_132 = arith.divf %div3A_131, %add3A_129 : vector<16xf32>
        %sub3A_133 = arith.constant 1.000000e+00 : f32
        %sub3A_134 = vector.broadcast %sub3A_133 : f32 to vector<16xf32>
        %sub3A_135 = arith.subf %sub3A_134, %div3A_132 : vector<16xf32>
        %swap3A_136 = arith.index_cast %scan3A_67 : i32 to index
        %swap3A_137 = arith.constant 32 : index
        %swap3A_138 = tpu.vector_load %arg10[%swap3A_136, %swap3A_137] {strides = array<i32>} : memref<128x64xf32, #tpu.memory_space<vmem>>, vector<1x16xf32>,
        %swap3A_139 = vector.shape_cast %swap3A_138 : vector<1x16xf32> to vector<16xf32>
        %swap3A_140 = vector.shape_cast %sub3A_135 : vector<16xf32> to vector<1x16xf32>
        tpu.vector_store %arg10[%swap3A_136, %swap3A_137], %swap3A_140 {strides = array<i32>} : memref<128x64xf32, #tpu.memory_space<vmem>>, vector<1x16xf32>,
        %get3A_141 = arith.index_cast %scan3A_67 : i32 to index
        %get3A_142 = arith.constant 48 : index
        %get3A_143 = tpu.vector_load %arg10[%get3A_141, %get3A_142] {strides = array<i32>} : memref<128x64xf32, #tpu.memory_space<vmem>>, vector<1x16xf32>,
        %get3A_144 = vector.shape_cast %get3A_143 : vector<1x16xf32> to vector<16xf32>
        %get3A_145 = arith.index_cast %scan3A_67 : i32 to index
        %get3A_146 = arith.constant 48 : index
        %get3A_147 = tpu.vector_load %arg11[%get3A_145, %get3A_146] {strides = array<i32>} : memref<128x64xf32, #tpu.memory_space<vmem>>, vector<1x16xf32>,
        %get3A_148 = vector.shape_cast %get3A_147 : vector<1x16xf32> to vector<16xf32>
        %add3A_149 = arith.addf %get3A_144, %get3A_148 : vector<16xf32>
        %add3A_150 = arith.addf %add3A_149, %add3A_149 : vector<16xf32>
        %exp3A_151 = math.exp %add3A_150 : vector<16xf32>
        %add3A_152 = arith.constant 1.000000e+00 : f32
        %add3A_153 = vector.broadcast %add3A_152 : f32 to vector<16xf32>
        %add3A_154 = arith.addf %exp3A_151, %add3A_153 : vector<16xf32>
        %div3A_155 = arith.constant 2.000000e+00 : f32
        %div3A_156 = vector.broadcast %div3A_155 : f32 to vector<16xf32>
        %div3A_157 = arith.divf %div3A_156, %add3A_154 : vector<16xf32>
        %sub3A_158 = arith.constant 1.000000e+00 : f32
        %sub3A_159 = vector.broadcast %sub3A_158 : f32 to vector<16xf32>
        %sub3A_160 = arith.subf %sub3A_159, %div3A_157 : vector<16xf32>
        %swap3A_161 = arith.index_cast %scan3A_67 : i32 to index
        %swap3A_162 = arith.constant 48 : index
        %swap3A_163 = tpu.vector_load %arg10[%swap3A_161, %swap3A_162] {strides = array<i32>} : memref<128x64xf32, #tpu.memory_space<vmem>>, vector<1x16xf32>,
        %swap3A_164 = vector.shape_cast %swap3A_163 : vector<1x16xf32> to vector<16xf32>
        %swap3A_165 = vector.shape_cast %sub3A_160 : vector<16xf32> to vector<1x16xf32>
        tpu.vector_store %arg10[%swap3A_161, %swap3A_162], %swap3A_165 {strides = array<i32>} : memref<128x64xf32, #tpu.memory_space<vmem>>, vector<1x16xf32>,
        %scan3A_166 = arith.constant 0 : i32
        scf.yield %scan3A_166 : i32
      }
      %scan3A_65 = arith.constant 128 : i32
      "tpu.region"() ({
        %run_scoped3A = tpu.sem_alloc : memref<!tpu.dma_semaphore, #tpu.memory_space<semaphore_mem>>
        %dma_start3A_67 = arith.constant 0 : i32
        %dma_start3A_68 = arith.constant 0 : i32
        %dma_start3A_69 = tpu.memref_slice %arg12[%dma_start3A_67, %dma_start3A_68] : memref<10000x64xf32, #tpu.memory_space<vmem_shared>> -> memref<10000x64xf32, #tpu.memory_space<vmem_shared>>
        tpu.enqueue_indirect_dma source(%arg10 : memref<128x64xf32, #tpu.memory_space<vmem>>) target(%dma_start3A_69 : memref<10000x64xf32, #tpu.memory_space<vmem_shared>>) offsets(%arg9 : memref<128xi32, #tpu.memory_space<vmem>>) semaphore(%run_scoped3A : memref<!tpu.dma_semaphore, #tpu.memory_space<semaphore_mem>>) {add = true}
        %dma_wait3A_70 = arith.constant 0 : i32
        %dma_wait3A_71 = arith.constant 0 : i32
        %dma_wait3A_72 = tpu.memref_slice %arg12[%dma_wait3A_70, %dma_wait3A_71] : memref<10000x64xf32, #tpu.memory_space<vmem_shared>> -> memref<10000x64xf32, #tpu.memory_space<vmem_shared>>
        tpu.wait_indirect_dma semaphore(%run_scoped3A : memref<!tpu.dma_semaphore, #tpu.memory_space<semaphore_mem>>) src(%arg10 : memref<128x64xf32, #tpu.memory_space<vmem>>) dst(%dma_wait3A_72 : memref<10000x64xf32, #tpu.memory_space<vmem_shared>>)
        tpu.yield
      }) : () -> ()
      %while3A_66 = arith.constant 0 : i32
      scf.yield %while3A_66 : i32
    }
    %while3A_34 = arith.constant 1 : i32
    %while3A_35 = scf.for %while3A_47 = %while3A_31 to %while3A_27 step %while3A_34 iter_args(%while3A_48 = %while3A_33) -> (i32)  : i32 {
      %mul3A = arith.constant 16 : i32
      %mul3A_49 = arith.muli %mul3A, %while3A_47 : i32
      %add3A_50 = arith.addi %arg1, %mul3A_49 : i32
      %mul3A_51 = arith.constant 80000 : i32
      %mul3A_52 = arith.muli %arg0, %mul3A_51 : i32
      %mul3A_53 = arith.constant 128 : i32
      %mul3A_54 = arith.muli %add3A_50, %mul3A_53 : i32
      %add3A_55 = arith.addi %mul3A_52, %mul3A_54 : i32
      "tpu.region"() ({
        %run_scoped3A = tpu.sem_alloc : memref<!tpu.dma_semaphore, #tpu.memory_space<semaphore_mem>>
        %dma_start3A_67 = tpu.memref_slice %arg4[%add3A_55] : memref<160000xi32, #tpu.memory_space<hbm>> -> memref<128xi32, #tpu.memory_space<hbm>>
        %dma_start3A_68 = tpu.memref_slice %arg4[%add3A_55] : memref<160000xi32, #tpu.memory_space<hbm>> -> memref<128xi32, #tpu.memory_space<hbm>>
        tpu.enqueue_dma source(%dma_start3A_68 : memref<128xi32, #tpu.memory_space<hbm>>) target(%arg8 : memref<128xi32, #tpu.memory_space<vmem>>) target_semaphore(%run_scoped3A : memref<!tpu.dma_semaphore, #tpu.memory_space<semaphore_mem>>)
        %dma_wait3A_69 = tpu.memref_slice %arg4[%add3A_55] : memref<160000xi32, #tpu.memory_space<hbm>> -> memref<128xi32, #tpu.memory_space<hbm>>
        %dma_wait3A_70 = tpu.memref_slice %arg4[%add3A_55] : memref<160000xi32, #tpu.memory_space<hbm>> -> memref<128xi32, #tpu.memory_space<hbm>>
        tpu.wait_dma2 semaphore(%run_scoped3A : memref<!tpu.dma_semaphore, #tpu.memory_space<semaphore_mem>>) src(%dma_wait3A_70 : memref<128xi32, #tpu.memory_space<hbm>>) dst(%arg8 : memref<128xi32, #tpu.memory_space<vmem>>)
        tpu.yield
      }) : () -> ()
      "tpu.region"() ({
        %run_scoped3A = tpu.sem_alloc : memref<!tpu.dma_semaphore, #tpu.memory_space<semaphore_mem>>
        %dma_start3A_67 = tpu.memref_slice %arg5[%add3A_55] : memref<160000xi32, #tpu.memory_space<hbm>> -> memref<128xi32, #tpu.memory_space<hbm>>
        %dma_start3A_68 = tpu.memref_slice %arg5[%add3A_55] : memref<160000xi32, #tpu.memory_space<hbm>> -> memref<128xi32, #tpu.memory_space<hbm>>
        tpu.enqueue_dma source(%dma_start3A_68 : memref<128xi32, #tpu.memory_space<hbm>>) target(%arg9 : memref<128xi32, #tpu.memory_space<vmem>>) target_semaphore(%run_scoped3A : memref<!tpu.dma_semaphore, #tpu.memory_space<semaphore_mem>>)
        %dma_wait3A_69 = tpu.memref_slice %arg5[%add3A_55] : memref<160000xi32, #tpu.memory_space<hbm>> -> memref<128xi32, #tpu.memory_space<hbm>>
        %dma_wait3A_70 = tpu.memref_slice %arg5[%add3A_55] : memref<160000xi32, #tpu.memory_space<hbm>> -> memref<128xi32, #tpu.memory_space<hbm>>
        tpu.wait_dma2 semaphore(%run_scoped3A : memref<!tpu.dma_semaphore, #tpu.memory_space<semaphore_mem>>) src(%dma_wait3A_70 : memref<128xi32, #tpu.memory_space<hbm>>) dst(%arg9 : memref<128xi32, #tpu.memory_space<vmem>>)
        tpu.yield
      }) : () -> ()
      %dma_start3A = arith.constant 0 : i32
      %dma_start3A_56 = arith.constant 0 : i32
      %dma_start3A_57 = tpu.memref_slice %arg2[%dma_start3A, %dma_start3A_56] : memref<10000x64xf32, #tpu.memory_space<hbm>> -> memref<10000x64xf32, #tpu.memory_space<hbm>>
      tpu.enqueue_indirect_dma source(%dma_start3A_57 : memref<10000x64xf32, #tpu.memory_space<hbm>>) target(%arg10 : memref<128x64xf32, #tpu.memory_space<vmem>>) offsets(%arg8 : memref<128xi32, #tpu.memory_space<vmem>>) semaphore(%arg13 : memref<!tpu.dma_semaphore, #tpu.memory_space<semaphore_mem>>)
      %dma_wait3A = arith.constant 0 : i32
      %dma_wait3A_58 = arith.constant 0 : i32
      %dma_wait3A_59 = tpu.memref_slice %arg2[%dma_wait3A, %dma_wait3A_58] : memref<10000x64xf32, #tpu.memory_space<hbm>> -> memref<10000x64xf32, #tpu.memory_space<hbm>>
      tpu.wait_indirect_dma semaphore(%arg13 : memref<!tpu.dma_semaphore, #tpu.memory_space<semaphore_mem>>) src(%dma_wait3A_59 : memref<10000x64xf32, #tpu.memory_space<hbm>>) dst(%arg10 : memref<128x64xf32, #tpu.memory_space<vmem>>)
      "tpu.region"() ({
        %run_scoped3A = tpu.sem_alloc : memref<!tpu.dma_semaphore, #tpu.memory_space<semaphore_mem>>
        %dma_start3A_67 = arith.constant 0 : i32
        %dma_start3A_68 = tpu.memref_slice %arg3[%add3A_55, %dma_start3A_67] : memref<160000x64xf32, #tpu.memory_space<hbm>> -> memref<128x64xf32, #tpu.memory_space<hbm>>
        %dma_start3A_69 = arith.constant 0 : i32
        %dma_start3A_70 = tpu.memref_slice %arg3[%add3A_55, %dma_start3A_69] : memref<160000x64xf32, #tpu.memory_space<hbm>> -> memref<128x64xf32, #tpu.memory_space<hbm>>
        tpu.enqueue_dma source(%dma_start3A_70 : memref<128x64xf32, #tpu.memory_space<hbm>>) target(%arg11 : memref<128x64xf32, #tpu.memory_space<vmem>>) target_semaphore(%run_scoped3A : memref<!tpu.dma_semaphore, #tpu.memory_space<semaphore_mem>>)
        %dma_wait3A_71 = arith.constant 0 : i32
        %dma_wait3A_72 = tpu.memref_slice %arg3[%add3A_55, %dma_wait3A_71] : memref<160000x64xf32, #tpu.memory_space<hbm>> -> memref<128x64xf32, #tpu.memory_space<hbm>>
        %dma_wait3A_73 = arith.constant 0 : i32
        %dma_wait3A_74 = tpu.memref_slice %arg3[%add3A_55, %dma_wait3A_73] : memref<160000x64xf32, #tpu.memory_space<hbm>> -> memref<128x64xf32, #tpu.memory_space<hbm>>
        tpu.wait_dma2 semaphore(%run_scoped3A : memref<!tpu.dma_semaphore, #tpu.memory_space<semaphore_mem>>) src(%dma_wait3A_74 : memref<128x64xf32, #tpu.memory_space<hbm>>) dst(%arg11 : memref<128x64xf32, #tpu.memory_space<vmem>>)
        tpu.yield
      }) : () -> ()
      %scan3A = arith.constant 0 : i32
      %scan3A_60 = arith.constant 0 : i32
      %scan3A_61 = arith.constant 128 : i32
      %scan3A_62 = arith.addi %scan3A_60, %scan3A_61 : i32
      %scan3A_63 = arith.constant 1 : i32
      %scan3A_64 = scf.for %scan3A_67 = %scan3A_60 to %scan3A_62 step %scan3A_63 iter_args(%scan3A_68 = %scan3A) -> (i32)  : i32 {
        %get3A = arith.index_cast %scan3A_67 : i32 to index
        %get3A_69 = arith.constant 0 : index
        %get3A_70 = tpu.vector_load %arg10[%get3A, %get3A_69] {strides = array<i32>} : memref<128x64xf32, #tpu.memory_space<vmem>>, vector<1x16xf32>,
        %get3A_71 = vector.shape_cast %get3A_70 : vector<1x16xf32> to vector<16xf32>
        %get3A_72 = arith.index_cast %scan3A_67 : i32 to index
        %get3A_73 = arith.constant 0 : index
        %get3A_74 = tpu.vector_load %arg11[%get3A_72, %get3A_73] {strides = array<i32>} : memref<128x64xf32, #tpu.memory_space<vmem>>, vector<1x16xf32>,
        %get3A_75 = vector.shape_cast %get3A_74 : vector<1x16xf32> to vector<16xf32>
        %add3A_76 = arith.addf %get3A_71, %get3A_75 : vector<16xf32>
        %add3A_77 = arith.addf %add3A_76, %add3A_76 : vector<16xf32>
        %exp3A = math.exp %add3A_77 : vector<16xf32>
        %add3A_78 = arith.constant 1.000000e+00 : f32
        %add3A_79 = vector.broadcast %add3A_78 : f32 to vector<16xf32>
        %add3A_80 = arith.addf %exp3A, %add3A_79 : vector<16xf32>
        %div3A_81 = arith.constant 2.000000e+00 : f32
        %div3A_82 = vector.broadcast %div3A_81 : f32 to vector<16xf32>
        %div3A_83 = arith.divf %div3A_82, %add3A_80 : vector<16xf32>
        %sub3A_84 = arith.constant 1.000000e+00 : f32
        %sub3A_85 = vector.broadcast %sub3A_84 : f32 to vector<16xf32>
        %sub3A_86 = arith.subf %sub3A_85, %div3A_83 : vector<16xf32>
        %swap3A = arith.index_cast %scan3A_67 : i32 to index
        %swap3A_87 = arith.constant 0 : index
        %swap3A_88 = tpu.vector_load %arg10[%swap3A, %swap3A_87] {strides = array<i32>} : memref<128x64xf32, #tpu.memory_space<vmem>>, vector<1x16xf32>,
        %swap3A_89 = vector.shape_cast %swap3A_88 : vector<1x16xf32> to vector<16xf32>
        %swap3A_90 = vector.shape_cast %sub3A_86 : vector<16xf32> to vector<1x16xf32>
        tpu.vector_store %arg10[%swap3A, %swap3A_87], %swap3A_90 {strides = array<i32>} : memref<128x64xf32, #tpu.memory_space<vmem>>, vector<1x16xf32>,
        %get3A_91 = arith.index_cast %scan3A_67 : i32 to index
        %get3A_92 = arith.constant 16 : index
        %get3A_93 = tpu.vector_load %arg10[%get3A_91, %get3A_92] {strides = array<i32>} : memref<128x64xf32, #tpu.memory_space<vmem>>, vector<1x16xf32>,
        %get3A_94 = vector.shape_cast %get3A_93 : vector<1x16xf32> to vector<16xf32>
        %get3A_95 = arith.index_cast %scan3A_67 : i32 to index
        %get3A_96 = arith.constant 16 : index
        %get3A_97 = tpu.vector_load %arg11[%get3A_95, %get3A_96] {strides = array<i32>} : memref<128x64xf32, #tpu.memory_space<vmem>>, vector<1x16xf32>,
        %get3A_98 = vector.shape_cast %get3A_97 : vector<1x16xf32> to vector<16xf32>
        %add3A_99 = arith.addf %get3A_94, %get3A_98 : vector<16xf32>
        %add3A_100 = arith.addf %add3A_99, %add3A_99 : vector<16xf32>
        %exp3A_101 = math.exp %add3A_100 : vector<16xf32>
        %add3A_102 = arith.constant 1.000000e+00 : f32
        %add3A_103 = vector.broadcast %add3A_102 : f32 to vector<16xf32>
        %add3A_104 = arith.addf %exp3A_101, %add3A_103 : vector<16xf32>
        %div3A_105 = arith.constant 2.000000e+00 : f32
        %div3A_106 = vector.broadcast %div3A_105 : f32 to vector<16xf32>
        %div3A_107 = arith.divf %div3A_106, %add3A_104 : vector<16xf32>
        %sub3A_108 = arith.constant 1.000000e+00 : f32
        %sub3A_109 = vector.broadcast %sub3A_108 : f32 to vector<16xf32>
        %sub3A_110 = arith.subf %sub3A_109, %div3A_107 : vector<16xf32>
        %swap3A_111 = arith.index_cast %scan3A_67 : i32 to index
        %swap3A_112 = arith.constant 16 : index
        %swap3A_113 = tpu.vector_load %arg10[%swap3A_111, %swap3A_112] {strides = array<i32>} : memref<128x64xf32, #tpu.memory_space<vmem>>, vector<1x16xf32>,
        %swap3A_114 = vector.shape_cast %swap3A_113 : vector<1x16xf32> to vector<16xf32>
        %swap3A_115 = vector.shape_cast %sub3A_110 : vector<16xf32> to vector<1x16xf32>
        tpu.vector_store %arg10[%swap3A_111, %swap3A_112], %swap3A_115 {strides = array<i32>} : memref<128x64xf32, #tpu.memory_space<vmem>>, vector<1x16xf32>,
        %get3A_116 = arith.index_cast %scan3A_67 : i32 to index
        %get3A_117 = arith.constant 32 : index
        %get3A_118 = tpu.vector_load %arg10[%get3A_116, %get3A_117] {strides = array<i32>} : memref<128x64xf32, #tpu.memory_space<vmem>>, vector<1x16xf32>,
        %get3A_119 = vector.shape_cast %get3A_118 : vector<1x16xf32> to vector<16xf32>
        %get3A_120 = arith.index_cast %scan3A_67 : i32 to index
        %get3A_121 = arith.constant 32 : index
        %get3A_122 = tpu.vector_load %arg11[%get3A_120, %get3A_121] {strides = array<i32>} : memref<128x64xf32, #tpu.memory_space<vmem>>, vector<1x16xf32>,
        %get3A_123 = vector.shape_cast %get3A_122 : vector<1x16xf32> to vector<16xf32>
        %add3A_124 = arith.addf %get3A_119, %get3A_123 : vector<16xf32>
        %add3A_125 = arith.addf %add3A_124, %add3A_124 : vector<16xf32>
        %exp3A_126 = math.exp %add3A_125 : vector<16xf32>
        %add3A_127 = arith.constant 1.000000e+00 : f32
        %add3A_128 = vector.broadcast %add3A_127 : f32 to vector<16xf32>
        %add3A_129 = arith.addf %exp3A_126, %add3A_128 : vector<16xf32>
        %div3A_130 = arith.constant 2.000000e+00 : f32
        %div3A_131 = vector.broadcast %div3A_130 : f32 to vector<16xf32>
        %div3A_132 = arith.divf %div3A_131, %add3A_129 : vector<16xf32>
        %sub3A_133 = arith.constant 1.000000e+00 : f32
        %sub3A_134 = vector.broadcast %sub3A_133 : f32 to vector<16xf32>
        %sub3A_135 = arith.subf %sub3A_134, %div3A_132 : vector<16xf32>
        %swap3A_136 = arith.index_cast %scan3A_67 : i32 to index
        %swap3A_137 = arith.constant 32 : index
        %swap3A_138 = tpu.vector_load %arg10[%swap3A_136, %swap3A_137] {strides = array<i32>} : memref<128x64xf32, #tpu.memory_space<vmem>>, vector<1x16xf32>,
        %swap3A_139 = vector.shape_cast %swap3A_138 : vector<1x16xf32> to vector<16xf32>
        %swap3A_140 = vector.shape_cast %sub3A_135 : vector<16xf32> to vector<1x16xf32>
        tpu.vector_store %arg10[%swap3A_136, %swap3A_137], %swap3A_140 {strides = array<i32>} : memref<128x64xf32, #tpu.memory_space<vmem>>, vector<1x16xf32>,
        %get3A_141 = arith.index_cast %scan3A_67 : i32 to index
        %get3A_142 = arith.constant 48 : index
        %get3A_143 = tpu.vector_load %arg10[%get3A_141, %get3A_142] {strides = array<i32>} : memref<128x64xf32, #tpu.memory_space<vmem>>, vector<1x16xf32>,
        %get3A_144 = vector.shape_cast %get3A_143 : vector<1x16xf32> to vector<16xf32>
        %get3A_145 = arith.index_cast %scan3A_67 : i32 to index
        %get3A_146 = arith.constant 48 : index
        %get3A_147 = tpu.vector_load %arg11[%get3A_145, %get3A_146] {strides = array<i32>} : memref<128x64xf32, #tpu.memory_space<vmem>>, vector<1x16xf32>,
        %get3A_148 = vector.shape_cast %get3A_147 : vector<1x16xf32> to vector<16xf32>
        %add3A_149 = arith.addf %get3A_144, %get3A_148 : vector<16xf32>
        %add3A_150 = arith.addf %add3A_149, %add3A_149 : vector<16xf32>
        %exp3A_151 = math.exp %add3A_150 : vector<16xf32>
        %add3A_152 = arith.constant 1.000000e+00 : f32
        %add3A_153 = vector.broadcast %add3A_152 : f32 to vector<16xf32>
        %add3A_154 = arith.addf %exp3A_151, %add3A_153 : vector<16xf32>
        %div3A_155 = arith.constant 2.000000e+00 : f32
        %div3A_156 = vector.broadcast %div3A_155 : f32 to vector<16xf32>
        %div3A_157 = arith.divf %div3A_156, %add3A_154 : vector<16xf32>
        %sub3A_158 = arith.constant 1.000000e+00 : f32
        %sub3A_159 = vector.broadcast %sub3A_158 : f32 to vector<16xf32>
        %sub3A_160 = arith.subf %sub3A_159, %div3A_157 : vector<16xf32>
        %swap3A_161 = arith.index_cast %scan3A_67 : i32 to index
        %swap3A_162 = arith.constant 48 : index
        %swap3A_163 = tpu.vector_load %arg10[%swap3A_161, %swap3A_162] {strides = array<i32>} : memref<128x64xf32, #tpu.memory_space<vmem>>, vector<1x16xf32>,
        %swap3A_164 = vector.shape_cast %swap3A_163 : vector<1x16xf32> to vector<16xf32>
        %swap3A_165 = vector.shape_cast %sub3A_160 : vector<16xf32> to vector<1x16xf32>
        tpu.vector_store %arg10[%swap3A_161, %swap3A_162], %swap3A_165 {strides = array<i32>} : memref<128x64xf32, #tpu.memory_space<vmem>>, vector<1x16xf32>,
        %scan3A_166 = arith.constant 0 : i32
        scf.yield %scan3A_166 : i32
      }
      %scan3A_65 = arith.constant 128 : i32
      "tpu.region"() ({
        %run_scoped3A = tpu.sem_alloc : memref<!tpu.dma_semaphore, #tpu.memory_space<semaphore_mem>>
        %dma_start3A_67 = arith.constant 0 : i32
        %dma_start3A_68 = arith.constant 0 : i32
        %dma_start3A_69 = tpu.memref_slice %arg12[%dma_start3A_67, %dma_start3A_68] : memref<10000x64xf32, #tpu.memory_space<vmem_shared>> -> memref<10000x64xf32, #tpu.memory_space<vmem_shared>>
        tpu.enqueue_indirect_dma source(%arg10 : memref<128x64xf32, #tpu.memory_space<vmem>>) target(%dma_start3A_69 : memref<10000x64xf32, #tpu.memory_space<vmem_shared>>) offsets(%arg9 : memref<128xi32, #tpu.memory_space<vmem>>) semaphore(%run_scoped3A : memref<!tpu.dma_semaphore, #tpu.memory_space<semaphore_mem>>) {add = true}
        %dma_wait3A_70 = arith.constant 0 : i32
        %dma_wait3A_71 = arith.constant 0 : i32
        %dma_wait3A_72 = tpu.memref_slice %arg12[%dma_wait3A_70, %dma_wait3A_71] : memref<10000x64xf32, #tpu.memory_space<vmem_shared>> -> memref<10000x64xf32, #tpu.memory_space<vmem_shared>>
        tpu.wait_indirect_dma semaphore(%run_scoped3A : memref<!tpu.dma_semaphore, #tpu.memory_space<semaphore_mem>>) src(%arg10 : memref<128x64xf32, #tpu.memory_space<vmem>>) dst(%dma_wait3A_72 : memref<10000x64xf32, #tpu.memory_space<vmem_shared>>)
        tpu.yield
      }) : () -> ()
      %while3A_66 = arith.constant 0 : i32
      scf.yield %while3A_66 : i32
    }
    %barrier3A_36 = arith.constant 0 : index
    tpu.barrier barrier_id(%barrier3A_36)
    %lt3A_37 = arith.constant 15 : i32
    %lt3A_38 = arith.cmpi slt, %arg1, %lt3A_37 : i32
    %convert_element_type3A_39 = arith.extui %lt3A_38 : i1 to i32
    %cond3A_40 = arith.constant 0 : i32
    %cond3A_41 = arith.cmpi ne, %convert_element_type3A_39, %cond3A_40 : i32
    scf.if %cond3A_41 {
      %mul3A = arith.constant 632 : i32
      %mul3A_47 = arith.muli %arg1, %mul3A : i32
      %mul3A_48 = arith.constant 10000 : i32
      %mul3A_49 = arith.muli %arg0, %mul3A_48 : i32
      %add3A_50 = arith.addi %mul3A_49, %mul3A_47 : i32
      "tpu.region"() ({
        %run_scoped3A = tpu.sem_alloc : memref<!tpu.dma_semaphore, #tpu.memory_space<semaphore_mem>>
        %dma_start3A = arith.constant 0 : i32
        %dma_start3A_51 = tpu.memref_slice %arg7[%add3A_50, %dma_start3A] : memref<20000x64xf32, #tpu.memory_space<hbm>> -> memref<632x64xf32, #tpu.memory_space<hbm>>
        %dma_start3A_52 = arith.constant 0 : i32
        %dma_start3A_53 = tpu.memref_slice %arg12[%mul3A_47, %dma_start3A_52] : memref<10000x64xf32, #tpu.memory_space<vmem_shared>> -> memref<632x64xf32, #tpu.memory_space<vmem_shared>>
        tpu.enqueue_dma source(%dma_start3A_53 : memref<632x64xf32, #tpu.memory_space<vmem_shared>>) target(%dma_start3A_51 : memref<632x64xf32, #tpu.memory_space<hbm>>) target_semaphore(%run_scoped3A : memref<!tpu.dma_semaphore, #tpu.memory_space<semaphore_mem>>)
        %dma_wait3A = arith.constant 0 : i32
        %dma_wait3A_54 = tpu.memref_slice %arg7[%add3A_50, %dma_wait3A] : memref<20000x64xf32, #tpu.memory_space<hbm>> -> memref<632x64xf32, #tpu.memory_space<hbm>>
        %dma_wait3A_55 = arith.constant 0 : i32
        %dma_wait3A_56 = tpu.memref_slice %arg12[%mul3A_47, %dma_wait3A_55] : memref<10000x64xf32, #tpu.memory_space<vmem_shared>> -> memref<632x64xf32, #tpu.memory_space<vmem_shared>>
        tpu.wait_dma2 semaphore(%run_scoped3A : memref<!tpu.dma_semaphore, #tpu.memory_space<semaphore_mem>>) src(%dma_wait3A_56 : memref<632x64xf32, #tpu.memory_space<vmem_shared>>) dst(%dma_wait3A_54 : memref<632x64xf32, #tpu.memory_space<hbm>>)
        tpu.yield
      }) : () -> ()
    } else {
    }
    %eq3A_42 = arith.constant 15 : i32
    %eq3A_43 = arith.cmpi eq, %arg1, %eq3A_42 : i32
    %convert_element_type3A_44 = arith.extui %eq3A_43 : i1 to i32
    %cond3A_45 = arith.constant 0 : i32
    %cond3A_46 = arith.cmpi ne, %convert_element_type3A_44, %cond3A_45 : i32
    scf.if %cond3A_46 {
      %mul3A = arith.constant 10000 : i32
      %mul3A_47 = arith.muli %arg0, %mul3A : i32
      %add3A_48 = arith.constant 9480 : i32
      %add3A_49 = arith.addi %mul3A_47, %add3A_48 : i32
      "tpu.region"() ({
        %run_scoped3A = tpu.sem_alloc : memref<!tpu.dma_semaphore, #tpu.memory_space<semaphore_mem>>
        %dma_start3A = arith.constant 0 : i32
        %dma_start3A_50 = tpu.memref_slice %arg7[%add3A_49, %dma_start3A] : memref<20000x64xf32, #tpu.memory_space<hbm>> -> memref<520x64xf32, #tpu.memory_space<hbm>>
        %dma_start3A_51 = arith.constant 9480 : i32
        %dma_start3A_52 = arith.constant 0 : i32
        %dma_start3A_53 = tpu.memref_slice %arg12[%dma_start3A_51, %dma_start3A_52] : memref<10000x64xf32, #tpu.memory_space<vmem_shared>> -> memref<520x64xf32, #tpu.memory_space<vmem_shared>>
        tpu.enqueue_dma source(%dma_start3A_53 : memref<520x64xf32, #tpu.memory_space<vmem_shared>>) target(%dma_start3A_50 : memref<520x64xf32, #tpu.memory_space<hbm>>) target_semaphore(%run_scoped3A : memref<!tpu.dma_semaphore, #tpu.memory_space<semaphore_mem>>)
        %dma_wait3A = arith.constant 0 : i32
        %dma_wait3A_54 = tpu.memref_slice %arg7[%add3A_49, %dma_wait3A] : memref<20000x64xf32, #tpu.memory_space<hbm>> -> memref<520x64xf32, #tpu.memory_space<hbm>>
        %dma_wait3A_55 = arith.constant 9480 : i32
        %dma_wait3A_56 = arith.constant 0 : i32
        %dma_wait3A_57 = tpu.memref_slice %arg12[%dma_wait3A_55, %dma_wait3A_56] : memref<10000x64xf32, #tpu.memory_space<vmem_shared>> -> memref<520x64xf32, #tpu.memory_space<vmem_shared>>
        tpu.wait_dma2 semaphore(%run_scoped3A : memref<!tpu.dma_semaphore, #tpu.memory_space<semaphore_mem>>) src(%dma_wait3A_57 : memref<520x64xf32, #tpu.memory_space<vmem_shared>>) dst(%dma_wait3A_54 : memref<520x64xf32, #tpu.memory_space<hbm>>)
        tpu.yield
      }) : () -> ()
    } else {
    }
    return
  }
}

#map = affine_map<(d0, d1) -> (0, 0)>
#map1 = affine_map<(d0, d1) -> (0)>
module attributes {stable_mosaic.version = 14 : i64} {
  func.func @_sc_pass_a(%arg0: i32, %arg1: i32, %arg2: memref<20000x128xf32, #tpu.memory_space<hbm>>, %arg3: memref<20000x32xf32, #tpu.memory_space<hbm>>, %arg4: memref<20000x32xf32, #tpu.memory_space<hbm>>, %arg5: memref<160000xi32, #tpu.memory_space<hbm>>, %arg6: memref<160000xi32, #tpu.memory_space<hbm>>, %arg7: memref<10000x128xf32, #tpu.memory_space<hbm>>, %arg8: memref<10000x16xf32, #tpu.memory_space<hbm>>, %arg9: memref<20000x128xf32, #tpu.memory_space<hbm>>, %arg10: memref<20000x16xf32, #tpu.memory_space<hbm>>, %arg11: memref<128x32xf32, #tpu.memory_space<vmem>>, %arg12: memref<128x32xf32, #tpu.memory_space<vmem>>, %arg13: memref<128xi32, #tpu.memory_space<vmem>>, %arg14: memref<128xi32, #tpu.memory_space<vmem>>, %arg15: memref<128xi32, #tpu.memory_space<vmem>>, %arg16: memref<128xi32, #tpu.memory_space<vmem>>, %arg17: memref<128x128xf32, #tpu.memory_space<vmem>>, %arg18: memref<128x16xf32, #tpu.memory_space<vmem>>, %arg19: memref<10000x128xf32, #tpu.memory_space<vmem_shared>>, %arg20: memref<10000x16xf32, #tpu.memory_space<vmem_shared>>, %arg21: memref<!tpu.dma_semaphore, #tpu.memory_space<semaphore_mem>>) attributes {dimension_semantics = [#tpu.dimension_semantics<core_parallel>, #tpu.dimension_semantics<subcore_parallel>], iteration_bounds = array<i64: 2, 16>, scalar_prefetch = 0 : i64, scratch_operands = 11 : i64, tpu.core_type = #tpu.core_type<sc_vector_subcore>, window_params = [{transform_indices = #map}, {transform_indices = #map}, {transform_indices = #map}, {transform_indices = #map1}, {transform_indices = #map1}, {transform_indices = #map}, {transform_indices = #map}, {transform_indices = #map}, {transform_indices = #map}]} {
    %lt3A = arith.constant 15 : i32
    %lt3A_0 = arith.cmpi slt, %arg1, %lt3A : i32
    %convert_element_type3A = arith.extui %lt3A_0 : i1 to i32
    %cond3A = arith.constant 0 : i32
    %cond3A_1 = arith.cmpi ne, %convert_element_type3A, %cond3A : i32
    scf.if %cond3A_1 {
      %mul3A_54 = arith.constant 632 : i32
      %mul3A_55 = arith.muli %arg1, %mul3A_54 : i32
      "tpu.region"() ({
        %run_scoped3A = tpu.sem_alloc : memref<!tpu.dma_semaphore, #tpu.memory_space<semaphore_mem>>
        %dma_start3A = arith.constant 0 : i32
        %dma_start3A_56 = tpu.memref_slice %arg19[%mul3A_55, %dma_start3A] : memref<10000x128xf32, #tpu.memory_space<vmem_shared>> -> memref<632x128xf32, #tpu.memory_space<vmem_shared>>
        %dma_start3A_57 = arith.constant 0 : i32
        %dma_start3A_58 = tpu.memref_slice %arg7[%mul3A_55, %dma_start3A_57] : memref<10000x128xf32, #tpu.memory_space<hbm>> -> memref<632x128xf32, #tpu.memory_space<hbm>>
        tpu.enqueue_dma source(%dma_start3A_58 : memref<632x128xf32, #tpu.memory_space<hbm>>) target(%dma_start3A_56 : memref<632x128xf32, #tpu.memory_space<vmem_shared>>) target_semaphore(%run_scoped3A : memref<!tpu.dma_semaphore, #tpu.memory_space<semaphore_mem>>)
        %dma_wait3A = arith.constant 0 : i32
        %dma_wait3A_59 = tpu.memref_slice %arg19[%mul3A_55, %dma_wait3A] : memref<10000x128xf32, #tpu.memory_space<vmem_shared>> -> memref<632x128xf32, #tpu.memory_space<vmem_shared>>
        %dma_wait3A_60 = arith.constant 0 : i32
        %dma_wait3A_61 = tpu.memref_slice %arg7[%mul3A_55, %dma_wait3A_60] : memref<10000x128xf32, #tpu.memory_space<hbm>> -> memref<632x128xf32, #tpu.memory_space<hbm>>
        tpu.wait_dma2 semaphore(%run_scoped3A : memref<!tpu.dma_semaphore, #tpu.memory_space<semaphore_mem>>) src(%dma_wait3A_61 : memref<632x128xf32, #tpu.memory_space<hbm>>) dst(%dma_wait3A_59 : memref<632x128xf32, #tpu.memory_space<vmem_shared>>)
        tpu.yield
      }) : () -> ()
      "tpu.region"() ({
        %run_scoped3A = tpu.sem_alloc : memref<!tpu.dma_semaphore, #tpu.memory_space<semaphore_mem>>
        %dma_start3A = arith.constant 0 : i32
        %dma_start3A_56 = tpu.memref_slice %arg20[%mul3A_55, %dma_start3A] : memref<10000x16xf32, #tpu.memory_space<vmem_shared>> -> memref<632x16xf32, #tpu.memory_space<vmem_shared>>
        %dma_start3A_57 = arith.constant 0 : i32
        %dma_start3A_58 = tpu.memref_slice %arg8[%mul3A_55, %dma_start3A_57] : memref<10000x16xf32, #tpu.memory_space<hbm>> -> memref<632x16xf32, #tpu.memory_space<hbm>>
        tpu.enqueue_dma source(%dma_start3A_58 : memref<632x16xf32, #tpu.memory_space<hbm>>) target(%dma_start3A_56 : memref<632x16xf32, #tpu.memory_space<vmem_shared>>) target_semaphore(%run_scoped3A : memref<!tpu.dma_semaphore, #tpu.memory_space<semaphore_mem>>)
        %dma_wait3A = arith.constant 0 : i32
        %dma_wait3A_59 = tpu.memref_slice %arg20[%mul3A_55, %dma_wait3A] : memref<10000x16xf32, #tpu.memory_space<vmem_shared>> -> memref<632x16xf32, #tpu.memory_space<vmem_shared>>
        %dma_wait3A_60 = arith.constant 0 : i32
        %dma_wait3A_61 = tpu.memref_slice %arg8[%mul3A_55, %dma_wait3A_60] : memref<10000x16xf32, #tpu.memory_space<hbm>> -> memref<632x16xf32, #tpu.memory_space<hbm>>
        tpu.wait_dma2 semaphore(%run_scoped3A : memref<!tpu.dma_semaphore, #tpu.memory_space<semaphore_mem>>) src(%dma_wait3A_61 : memref<632x16xf32, #tpu.memory_space<hbm>>) dst(%dma_wait3A_59 : memref<632x16xf32, #tpu.memory_space<vmem_shared>>)
        tpu.yield
      }) : () -> ()
    } else {
    }
    %eq3A = arith.constant 15 : i32
    %eq3A_2 = arith.cmpi eq, %arg1, %eq3A : i32
    %convert_element_type3A_3 = arith.extui %eq3A_2 : i1 to i32
    %cond3A_4 = arith.constant 0 : i32
    %cond3A_5 = arith.cmpi ne, %convert_element_type3A_3, %cond3A_4 : i32
    scf.if %cond3A_5 {
      "tpu.region"() ({
        %run_scoped3A = tpu.sem_alloc : memref<!tpu.dma_semaphore, #tpu.memory_space<semaphore_mem>>
        %dma_start3A = arith.constant 9480 : i32
        %dma_start3A_54 = arith.constant 0 : i32
        %dma_start3A_55 = tpu.memref_slice %arg19[%dma_start3A, %dma_start3A_54] : memref<10000x128xf32, #tpu.memory_space<vmem_shared>> -> memref<520x128xf32, #tpu.memory_space<vmem_shared>>
        %dma_start3A_56 = arith.constant 9480 : i32
        %dma_start3A_57 = arith.constant 0 : i32
        %dma_start3A_58 = tpu.memref_slice %arg7[%dma_start3A_56, %dma_start3A_57] : memref<10000x128xf32, #tpu.memory_space<hbm>> -> memref<520x128xf32, #tpu.memory_space<hbm>>
        tpu.enqueue_dma source(%dma_start3A_58 : memref<520x128xf32, #tpu.memory_space<hbm>>) target(%dma_start3A_55 : memref<520x128xf32, #tpu.memory_space<vmem_shared>>) target_semaphore(%run_scoped3A : memref<!tpu.dma_semaphore, #tpu.memory_space<semaphore_mem>>)
        %dma_wait3A = arith.constant 9480 : i32
        %dma_wait3A_59 = arith.constant 0 : i32
        %dma_wait3A_60 = tpu.memref_slice %arg19[%dma_wait3A, %dma_wait3A_59] : memref<10000x128xf32, #tpu.memory_space<vmem_shared>> -> memref<520x128xf32, #tpu.memory_space<vmem_shared>>
        %dma_wait3A_61 = arith.constant 9480 : i32
        %dma_wait3A_62 = arith.constant 0 : i32
        %dma_wait3A_63 = tpu.memref_slice %arg7[%dma_wait3A_61, %dma_wait3A_62] : memref<10000x128xf32, #tpu.memory_space<hbm>> -> memref<520x128xf32, #tpu.memory_space<hbm>>
        tpu.wait_dma2 semaphore(%run_scoped3A : memref<!tpu.dma_semaphore, #tpu.memory_space<semaphore_mem>>) src(%dma_wait3A_63 : memref<520x128xf32, #tpu.memory_space<hbm>>) dst(%dma_wait3A_60 : memref<520x128xf32, #tpu.memory_space<vmem_shared>>)
        tpu.yield
      }) : () -> ()
      "tpu.region"() ({
        %run_scoped3A = tpu.sem_alloc : memref<!tpu.dma_semaphore, #tpu.memory_space<semaphore_mem>>
        %dma_start3A = arith.constant 9480 : i32
        %dma_start3A_54 = arith.constant 0 : i32
        %dma_start3A_55 = tpu.memref_slice %arg20[%dma_start3A, %dma_start3A_54] : memref<10000x16xf32, #tpu.memory_space<vmem_shared>> -> memref<520x16xf32, #tpu.memory_space<vmem_shared>>
        %dma_start3A_56 = arith.constant 9480 : i32
        %dma_start3A_57 = arith.constant 0 : i32
        %dma_start3A_58 = tpu.memref_slice %arg8[%dma_start3A_56, %dma_start3A_57] : memref<10000x16xf32, #tpu.memory_space<hbm>> -> memref<520x16xf32, #tpu.memory_space<hbm>>
        tpu.enqueue_dma source(%dma_start3A_58 : memref<520x16xf32, #tpu.memory_space<hbm>>) target(%dma_start3A_55 : memref<520x16xf32, #tpu.memory_space<vmem_shared>>) target_semaphore(%run_scoped3A : memref<!tpu.dma_semaphore, #tpu.memory_space<semaphore_mem>>)
        %dma_wait3A = arith.constant 9480 : i32
        %dma_wait3A_59 = arith.constant 0 : i32
        %dma_wait3A_60 = tpu.memref_slice %arg20[%dma_wait3A, %dma_wait3A_59] : memref<10000x16xf32, #tpu.memory_space<vmem_shared>> -> memref<520x16xf32, #tpu.memory_space<vmem_shared>>
        %dma_wait3A_61 = arith.constant 9480 : i32
        %dma_wait3A_62 = arith.constant 0 : i32
        %dma_wait3A_63 = tpu.memref_slice %arg8[%dma_wait3A_61, %dma_wait3A_62] : memref<10000x16xf32, #tpu.memory_space<hbm>> -> memref<520x16xf32, #tpu.memory_space<hbm>>
        tpu.wait_dma2 semaphore(%run_scoped3A : memref<!tpu.dma_semaphore, #tpu.memory_space<semaphore_mem>>) src(%dma_wait3A_63 : memref<520x16xf32, #tpu.memory_space<hbm>>) dst(%dma_wait3A_60 : memref<520x16xf32, #tpu.memory_space<vmem_shared>>)
        tpu.yield
      }) : () -> ()
    } else {
    }
    %barrier3A = arith.constant 0 : index
    tpu.barrier barrier_id(%barrier3A)
    %mul3A = arith.constant 10000 : i32
    %mul3A_6 = arith.muli %arg0, %mul3A : i32
    %iota3A = tpu.iota {dimensions = array<i32: 0>} : vector<16xi32>
    %broadcast_in_dim3A = arith.constant 0.000000e+00 : f32
    %broadcast_in_dim3A_7 = vector.broadcast %broadcast_in_dim3A : f32 to vector<16xf32>
    %convert_element_type3A_8 = arith.sitofp %arg0 : i32 to f32
    %sub3A = arith.constant 1.000000e+00 : f32
    %sub3A_9 = arith.subf %sub3A, %convert_element_type3A_8 : f32
    %add3A = vector.broadcast %sub3A_9 : f32 to vector<16xf32>
    %add3A_10 = arith.addf %broadcast_in_dim3A_7, %add3A : vector<16xf32>
    %sub3A_11 = arith.constant 1249 : i32
    %sub3A_12 = arith.subi %sub3A_11, %arg1 : i32
    %jit3A = arith.constant 16 : i32
    %div3A = arith.divsi %sub3A_12, %jit3A : i32
    %sign3A = arith.constant 0 : i32
    %sign3A_13 = arith.cmpi sgt, %sub3A_12, %sign3A : i32
    %sign3A_14 = arith.extui %sign3A_13 : i1 to i32
    %sign3A_15 = arith.constant 0 : i32
    %sign3A_16 = arith.cmpi slt, %sub3A_12, %sign3A_15 : i32
    %sign3A_17 = arith.extui %sign3A_16 : i1 to i32
    %sign3A_18 = arith.subi %sign3A_14, %sign3A_17 : i32
    %sign3A_19 = arith.constant 0 : i32
    %sign3A_20 = arith.cmpi sgt, %jit3A, %sign3A_19 : i32
    %sign3A_21 = arith.extui %sign3A_20 : i1 to i32
    %sign3A_22 = arith.constant 0 : i32
    %sign3A_23 = arith.cmpi slt, %jit3A, %sign3A_22 : i32
    %sign3A_24 = arith.extui %sign3A_23 : i1 to i32
    %sign3A_25 = arith.subi %sign3A_21, %sign3A_24 : i32
    %ne3A = arith.cmpi ne, %sign3A_18, %sign3A_25 : i32
    %rem3A = arith.remsi %sub3A_12, %jit3A : i32
    %ne3A_26 = arith.constant 0 : i32
    %ne3A_27 = arith.cmpi ne, %rem3A, %ne3A_26 : i32
    %and3A = arith.andi %ne3A, %ne3A_27 : i1
    %sub3A_28 = arith.constant 1 : i32
    %sub3A_29 = arith.subi %div3A, %sub3A_28 : i32
    %select_n3A = arith.select %and3A, %sub3A_29, %div3A : i32
    %add3A_30 = arith.constant 1 : i32
    %add3A_31 = arith.addi %select_n3A, %add3A_30 : i32
    %while3A = arith.constant 0 : i32
    %while3A_32 = arith.constant 0 : i32
    %while3A_33 = arith.subi %add3A_31, %while3A : i32
    %while3A_34 = arith.addi %while3A, %while3A_33 : i32
    %while3A_35 = arith.constant 1 : i32
    %while3A_36 = arith.divsi %while3A_33, %while3A_35 : i32
    %while3A_37 = arith.muli %while3A_36, %while3A_35 : i32
    %while3A_38 = arith.addi %while3A, %while3A_37 : i32
    %while3A_39 = arith.constant 1 : i32
    %while3A_40 = scf.for %while3A_54 = %while3A to %while3A_38 step %while3A_39 iter_args(%while3A_55 = %while3A_32) -> (i32)  : i32 {
      %mul3A_56 = arith.constant 16 : i32
      %mul3A_57 = arith.muli %mul3A_56, %while3A_54 : i32
      %add3A_58 = arith.addi %arg1, %mul3A_57 : i32
      %mul3A_59 = arith.constant 128 : i32
      %mul3A_60 = arith.muli %add3A_58, %mul3A_59 : i32
      "tpu.region"() ({
        %run_scoped3A = tpu.sem_alloc : memref<!tpu.dma_semaphore, #tpu.memory_space<semaphore_mem>>
        %dma_start3A_91 = tpu.memref_slice %arg5[%mul3A_60] : memref<160000xi32, #tpu.memory_space<hbm>> -> memref<128xi32, #tpu.memory_space<hbm>>
        %dma_start3A_92 = tpu.memref_slice %arg5[%mul3A_60] : memref<160000xi32, #tpu.memory_space<hbm>> -> memref<128xi32, #tpu.memory_space<hbm>>
        tpu.enqueue_dma source(%dma_start3A_92 : memref<128xi32, #tpu.memory_space<hbm>>) target(%arg13 : memref<128xi32, #tpu.memory_space<vmem>>) target_semaphore(%run_scoped3A : memref<!tpu.dma_semaphore, #tpu.memory_space<semaphore_mem>>)
        %dma_wait3A_93 = tpu.memref_slice %arg5[%mul3A_60] : memref<160000xi32, #tpu.memory_space<hbm>> -> memref<128xi32, #tpu.memory_space<hbm>>
        %dma_wait3A_94 = tpu.memref_slice %arg5[%mul3A_60] : memref<160000xi32, #tpu.memory_space<hbm>> -> memref<128xi32, #tpu.memory_space<hbm>>
        tpu.wait_dma2 semaphore(%run_scoped3A : memref<!tpu.dma_semaphore, #tpu.memory_space<semaphore_mem>>) src(%dma_wait3A_94 : memref<128xi32, #tpu.memory_space<hbm>>) dst(%arg13 : memref<128xi32, #tpu.memory_space<vmem>>)
        tpu.yield
      }) : () -> ()
      "tpu.region"() ({
        %run_scoped3A = tpu.sem_alloc : memref<!tpu.dma_semaphore, #tpu.memory_space<semaphore_mem>>
        %dma_start3A_91 = tpu.memref_slice %arg6[%mul3A_60] : memref<160000xi32, #tpu.memory_space<hbm>> -> memref<128xi32, #tpu.memory_space<hbm>>
        %dma_start3A_92 = tpu.memref_slice %arg6[%mul3A_60] : memref<160000xi32, #tpu.memory_space<hbm>> -> memref<128xi32, #tpu.memory_space<hbm>>
        tpu.enqueue_dma source(%dma_start3A_92 : memref<128xi32, #tpu.memory_space<hbm>>) target(%arg14 : memref<128xi32, #tpu.memory_space<vmem>>) target_semaphore(%run_scoped3A : memref<!tpu.dma_semaphore, #tpu.memory_space<semaphore_mem>>)
        %dma_wait3A_93 = tpu.memref_slice %arg6[%mul3A_60] : memref<160000xi32, #tpu.memory_space<hbm>> -> memref<128xi32, #tpu.memory_space<hbm>>
        %dma_wait3A_94 = tpu.memref_slice %arg6[%mul3A_60] : memref<160000xi32, #tpu.memory_space<hbm>> -> memref<128xi32, #tpu.memory_space<hbm>>
        tpu.wait_dma2 semaphore(%run_scoped3A : memref<!tpu.dma_semaphore, #tpu.memory_space<semaphore_mem>>) src(%dma_wait3A_94 : memref<128xi32, #tpu.memory_space<hbm>>) dst(%arg14 : memref<128xi32, #tpu.memory_space<vmem>>)
        tpu.yield
      }) : () -> ()
      %scan3A = arith.constant 0 : i32
      %scan3A_61 = arith.constant 0 : i32
      %scan3A_62 = arith.constant 8 : i32
      %scan3A_63 = arith.addi %scan3A_61, %scan3A_62 : i32
      %scan3A_64 = arith.constant 1 : i32
      %scan3A_65 = scf.for %scan3A_91 = %scan3A_61 to %scan3A_63 step %scan3A_64 iter_args(%scan3A_92 = %scan3A) -> (i32)  : i32 {
        %mul3A_93 = arith.constant 16 : i32
        %mul3A_94 = arith.muli %scan3A_91, %mul3A_93 : i32
        %get3A = arith.index_cast %mul3A_94 : i32 to index
        %get3A_95 = tpu.vector_load %arg13[%get3A] {strides = array<i32>} : memref<128xi32, #tpu.memory_space<vmem>>, vector<16xi32>,
        %get3A_96 = vector.shape_cast %get3A_95 : vector<16xi32> to vector<16xi32>
        %add3A_97 = vector.broadcast %mul3A_6 : i32 to vector<16xi32>
        %add3A_98 = arith.addi %get3A_96, %add3A_97 : vector<16xi32>
        %mul3A_99 = arith.constant 16 : i32
        %mul3A_100 = arith.muli %scan3A_91, %mul3A_99 : i32
        %swap3A = arith.index_cast %mul3A_100 : i32 to index
        %swap3A_101 = tpu.vector_load %arg15[%swap3A] {strides = array<i32>} : memref<128xi32, #tpu.memory_space<vmem>>, vector<16xi32>,
        %swap3A_102 = vector.shape_cast %swap3A_101 : vector<16xi32> to vector<16xi32>
        %swap3A_103 = vector.shape_cast %add3A_98 : vector<16xi32> to vector<16xi32>
        tpu.vector_store %arg15[%swap3A], %swap3A_103 {strides = array<i32>} : memref<128xi32, #tpu.memory_space<vmem>>, vector<16xi32>,
        %mul3A_104 = arith.constant 16 : i32
        %mul3A_105 = arith.muli %scan3A_91, %mul3A_104 : i32
        %get3A_106 = arith.index_cast %mul3A_105 : i32 to index
        %get3A_107 = tpu.vector_load %arg14[%get3A_106] {strides = array<i32>} : memref<128xi32, #tpu.memory_space<vmem>>, vector<16xi32>,
        %get3A_108 = vector.shape_cast %get3A_107 : vector<16xi32> to vector<16xi32>
        %add3A_109 = vector.broadcast %mul3A_6 : i32 to vector<16xi32>
        %add3A_110 = arith.addi %get3A_108, %add3A_109 : vector<16xi32>
        %mul3A_111 = arith.constant 16 : i32
        %mul3A_112 = arith.muli %scan3A_91, %mul3A_111 : i32
        %swap3A_113 = arith.index_cast %mul3A_112 : i32 to index
        %swap3A_114 = tpu.vector_load %arg16[%swap3A_113] {strides = array<i32>} : memref<128xi32, #tpu.memory_space<vmem>>, vector<16xi32>,
        %swap3A_115 = vector.shape_cast %swap3A_114 : vector<16xi32> to vector<16xi32>
        %swap3A_116 = vector.shape_cast %add3A_110 : vector<16xi32> to vector<16xi32>
        tpu.vector_store %arg16[%swap3A_113], %swap3A_116 {strides = array<i32>} : memref<128xi32, #tpu.memory_space<vmem>>, vector<16xi32>,
        %scan3A_117 = arith.constant 0 : i32
        scf.yield %scan3A_117 : i32
      }
      %scan3A_66 = arith.constant 8 : i32
      %dma_start3A = arith.constant 0 : i32
      %dma_start3A_67 = arith.constant 0 : i32
      %dma_start3A_68 = tpu.memref_slice %arg2[%dma_start3A, %dma_start3A_67] : memref<20000x128xf32, #tpu.memory_space<hbm>> -> memref<20000x128xf32, #tpu.memory_space<hbm>>
      tpu.enqueue_indirect_dma source(%dma_start3A_68 : memref<20000x128xf32, #tpu.memory_space<hbm>>) target(%arg17 : memref<128x128xf32, #tpu.memory_space<vmem>>) offsets(%arg15 : memref<128xi32, #tpu.memory_space<vmem>>) semaphore(%arg21 : memref<!tpu.dma_semaphore, #tpu.memory_space<semaphore_mem>>)
      %dma_start3A_69 = arith.constant 0 : i32
      %dma_start3A_70 = arith.constant 0 : i32
      %dma_start3A_71 = tpu.memref_slice %arg3[%dma_start3A_69, %dma_start3A_70] : memref<20000x32xf32, #tpu.memory_space<hbm>> -> memref<20000x32xf32, #tpu.memory_space<hbm>>
      tpu.enqueue_indirect_dma source(%dma_start3A_71 : memref<20000x32xf32, #tpu.memory_space<hbm>>) target(%arg11 : memref<128x32xf32, #tpu.memory_space<vmem>>) offsets(%arg15 : memref<128xi32, #tpu.memory_space<vmem>>) semaphore(%arg21 : memref<!tpu.dma_semaphore, #tpu.memory_space<semaphore_mem>>)
      %dma_start3A_72 = arith.constant 0 : i32
      %dma_start3A_73 = arith.constant 0 : i32
      %dma_start3A_74 = tpu.memref_slice %arg4[%dma_start3A_72, %dma_start3A_73] : memref<20000x32xf32, #tpu.memory_space<hbm>> -> memref<20000x32xf32, #tpu.memory_space<hbm>>
      tpu.enqueue_indirect_dma source(%dma_start3A_74 : memref<20000x32xf32, #tpu.memory_space<hbm>>) target(%arg12 : memref<128x32xf32, #tpu.memory_space<vmem>>) offsets(%arg16 : memref<128xi32, #tpu.memory_space<vmem>>) semaphore(%arg21 : memref<!tpu.dma_semaphore, #tpu.memory_space<semaphore_mem>>)
      %dma_wait3A = arith.constant 0 : i32
      %dma_wait3A_75 = arith.constant 0 : i32
      %dma_wait3A_76 = tpu.memref_slice %arg2[%dma_wait3A, %dma_wait3A_75] : memref<20000x128xf32, #tpu.memory_space<hbm>> -> memref<20000x128xf32, #tpu.memory_space<hbm>>
      tpu.wait_indirect_dma semaphore(%arg21 : memref<!tpu.dma_semaphore, #tpu.memory_space<semaphore_mem>>) src(%dma_wait3A_76 : memref<20000x128xf32, #tpu.memory_space<hbm>>) dst(%arg17 : memref<128x128xf32, #tpu.memory_space<vmem>>)
      %dma_wait3A_77 = arith.constant 0 : i32
      %dma_wait3A_78 = arith.constant 0 : i32
      %dma_wait3A_79 = tpu.memref_slice %arg3[%dma_wait3A_77, %dma_wait3A_78] : memref<20000x32xf32, #tpu.memory_space<hbm>> -> memref<20000x32xf32, #tpu.memory_space<hbm>>
      tpu.wait_indirect_dma semaphore(%arg21 : memref<!tpu.dma_semaphore, #tpu.memory_space<semaphore_mem>>) src(%dma_wait3A_79 : memref<20000x32xf32, #tpu.memory_space<hbm>>) dst(%arg11 : memref<128x32xf32, #tpu.memory_space<vmem>>)
      %dma_wait3A_80 = arith.constant 0 : i32
      %dma_wait3A_81 = arith.constant 0 : i32
      %dma_wait3A_82 = tpu.memref_slice %arg4[%dma_wait3A_80, %dma_wait3A_81] : memref<20000x32xf32, #tpu.memory_space<hbm>> -> memref<20000x32xf32, #tpu.memory_space<hbm>>
      tpu.wait_indirect_dma semaphore(%arg21 : memref<!tpu.dma_semaphore, #tpu.memory_space<semaphore_mem>>) src(%dma_wait3A_82 : memref<20000x32xf32, #tpu.memory_space<hbm>>) dst(%arg12 : memref<128x32xf32, #tpu.memory_space<vmem>>)
      %scan3A_83 = arith.constant 0 : i32
      %scan3A_84 = arith.constant 0 : i32
      %scan3A_85 = arith.constant 128 : i32
      %scan3A_86 = arith.addi %scan3A_84, %scan3A_85 : i32
      %scan3A_87 = arith.constant 1 : i32
      %scan3A_88 = scf.for %scan3A_91 = %scan3A_84 to %scan3A_86 step %scan3A_87 iter_args(%scan3A_92 = %scan3A_83) -> (i32)  : i32 {
        %get3A = arith.index_cast %scan3A_91 : i32 to index
        %get3A_93 = arith.constant 0 : index
        %get3A_94 = tpu.vector_load %arg11[%get3A, %get3A_93] {strides = array<i32>} : memref<128x32xf32, #tpu.memory_space<vmem>>, vector<1x16xf32>,
        %get3A_95 = vector.shape_cast %get3A_94 : vector<1x16xf32> to vector<16xf32>
        %get3A_96 = arith.index_cast %scan3A_91 : i32 to index
        %get3A_97 = arith.constant 0 : index
        %get3A_98 = tpu.vector_load %arg12[%get3A_96, %get3A_97] {strides = array<i32>} : memref<128x32xf32, #tpu.memory_space<vmem>>, vector<1x16xf32>,
        %get3A_99 = vector.shape_cast %get3A_98 : vector<1x16xf32> to vector<16xf32>
        %add3A_100 = arith.addf %get3A_95, %get3A_99 : vector<16xf32>
        %mul3A_101 = arith.constant 2.000000e-01 : f32
        %mul3A_102 = vector.broadcast %mul3A_101 : f32 to vector<16xf32>
        %mul3A_103 = arith.mulf %mul3A_102, %add3A_100 : vector<16xf32>
        %max3A = arith.maximumf %add3A_100, %mul3A_103 : vector<16xf32>
        %exp3A = math.exp %max3A : vector<16xf32>
        %get3A_104 = arith.index_cast %scan3A_91 : i32 to index
        %get3A_105 = arith.constant 16 : index
        %get3A_106 = tpu.vector_load %arg11[%get3A_104, %get3A_105] {strides = array<i32>} : memref<128x32xf32, #tpu.memory_space<vmem>>, vector<1x16xf32>,
        %get3A_107 = vector.shape_cast %get3A_106 : vector<1x16xf32> to vector<16xf32>
        %get3A_108 = arith.index_cast %scan3A_91 : i32 to index
        %get3A_109 = arith.constant 16 : index
        %get3A_110 = tpu.vector_load %arg12[%get3A_108, %get3A_109] {strides = array<i32>} : memref<128x32xf32, #tpu.memory_space<vmem>>, vector<1x16xf32>,
        %get3A_111 = vector.shape_cast %get3A_110 : vector<1x16xf32> to vector<16xf32>
        %add3A_112 = arith.addf %get3A_107, %get3A_111 : vector<16xf32>
        %mul3A_113 = arith.constant 2.000000e-01 : f32
        %mul3A_114 = vector.broadcast %mul3A_113 : f32 to vector<16xf32>
        %mul3A_115 = arith.mulf %mul3A_114, %add3A_112 : vector<16xf32>
        %max3A_116 = arith.maximumf %add3A_112, %mul3A_115 : vector<16xf32>
        %exp3A_117 = math.exp %max3A_116 : vector<16xf32>
        %lt3A_118 = arith.constant 6 : i32
        %lt3A_119 = vector.broadcast %lt3A_118 : i32 to vector<16xi32>
        %lt3A_120 = arith.cmpi slt, %iota3A, %lt3A_119 : vector<16xi32>
        %lt3A_121 = arith.constant 12 : i32
        %lt3A_122 = vector.broadcast %lt3A_121 : i32 to vector<16xi32>
        %lt3A_123 = arith.cmpi slt, %iota3A, %lt3A_122 : vector<16xi32>
        %select_n3A_124 = arith.select %lt3A_123, %exp3A_117, %add3A_10 : vector<16xi1>, vector<16xf32>
        %select_n3A_125 = arith.select %lt3A_120, %exp3A, %select_n3A_124 : vector<16xi1>, vector<16xf32>
        %swap3A = arith.index_cast %scan3A_91 : i32 to index
        %swap3A_126 = arith.constant 0 : index
        %swap3A_127 = tpu.vector_load %arg18[%swap3A, %swap3A_126] {strides = array<i32>} : memref<128x16xf32, #tpu.memory_space<vmem>>, vector<1x16xf32>,
        %swap3A_128 = vector.shape_cast %swap3A_127 : vector<1x16xf32> to vector<16xf32>
        %swap3A_129 = vector.shape_cast %select_n3A_125 : vector<16xf32> to vector<1x16xf32>
        tpu.vector_store %arg18[%swap3A, %swap3A_126], %swap3A_129 {strides = array<i32>} : memref<128x16xf32, #tpu.memory_space<vmem>>, vector<1x16xf32>,
        %get3A_130 = arith.index_cast %scan3A_91 : i32 to index
        %get3A_131 = arith.constant 0 : index
        %get3A_132 = tpu.vector_load %arg17[%get3A_130, %get3A_131] {strides = array<i32>} : memref<128x128xf32, #tpu.memory_space<vmem>>, vector<1x16xf32>,
        %get3A_133 = vector.shape_cast %get3A_132 : vector<1x16xf32> to vector<16xf32>
        %mul3A_134 = arith.mulf %get3A_133, %exp3A : vector<16xf32>
        %swap3A_135 = arith.index_cast %scan3A_91 : i32 to index
        %swap3A_136 = arith.constant 0 : index
        %swap3A_137 = tpu.vector_load %arg17[%swap3A_135, %swap3A_136] {strides = array<i32>} : memref<128x128xf32, #tpu.memory_space<vmem>>, vector<1x16xf32>,
        %swap3A_138 = vector.shape_cast %swap3A_137 : vector<1x16xf32> to vector<16xf32>
        %swap3A_139 = vector.shape_cast %mul3A_134 : vector<16xf32> to vector<1x16xf32>
        tpu.vector_store %arg17[%swap3A_135, %swap3A_136], %swap3A_139 {strides = array<i32>} : memref<128x128xf32, #tpu.memory_space<vmem>>, vector<1x16xf32>,
        %get3A_140 = arith.index_cast %scan3A_91 : i32 to index
        %get3A_141 = arith.constant 16 : index
        %get3A_142 = tpu.vector_load %arg17[%get3A_140, %get3A_141] {strides = array<i32>} : memref<128x128xf32, #tpu.memory_space<vmem>>, vector<1x16xf32>,
        %get3A_143 = vector.shape_cast %get3A_142 : vector<1x16xf32> to vector<16xf32>
        %mul3A_144 = arith.mulf %get3A_143, %exp3A : vector<16xf32>
        %swap3A_145 = arith.index_cast %scan3A_91 : i32 to index
        %swap3A_146 = arith.constant 16 : index
        %swap3A_147 = tpu.vector_load %arg17[%swap3A_145, %swap3A_146] {strides = array<i32>} : memref<128x128xf32, #tpu.memory_space<vmem>>, vector<1x16xf32>,
        %swap3A_148 = vector.shape_cast %swap3A_147 : vector<1x16xf32> to vector<16xf32>
        %swap3A_149 = vector.shape_cast %mul3A_144 : vector<16xf32> to vector<1x16xf32>
        tpu.vector_store %arg17[%swap3A_145, %swap3A_146], %swap3A_149 {strides = array<i32>} : memref<128x128xf32, #tpu.memory_space<vmem>>, vector<1x16xf32>,
        %get3A_150 = arith.index_cast %scan3A_91 : i32 to index
        %get3A_151 = arith.constant 32 : index
        %get3A_152 = tpu.vector_load %arg17[%get3A_150, %get3A_151] {strides = array<i32>} : memref<128x128xf32, #tpu.memory_space<vmem>>, vector<1x16xf32>,
        %get3A_153 = vector.shape_cast %get3A_152 : vector<1x16xf32> to vector<16xf32>
        %mul3A_154 = arith.mulf %get3A_153, %exp3A : vector<16xf32>
        %swap3A_155 = arith.index_cast %scan3A_91 : i32 to index
        %swap3A_156 = arith.constant 32 : index
        %swap3A_157 = tpu.vector_load %arg17[%swap3A_155, %swap3A_156] {strides = array<i32>} : memref<128x128xf32, #tpu.memory_space<vmem>>, vector<1x16xf32>,
        %swap3A_158 = vector.shape_cast %swap3A_157 : vector<1x16xf32> to vector<16xf32>
        %swap3A_159 = vector.shape_cast %mul3A_154 : vector<16xf32> to vector<1x16xf32>
        tpu.vector_store %arg17[%swap3A_155, %swap3A_156], %swap3A_159 {strides = array<i32>} : memref<128x128xf32, #tpu.memory_space<vmem>>, vector<1x16xf32>,
        %get3A_160 = arith.index_cast %scan3A_91 : i32 to index
        %get3A_161 = arith.constant 48 : index
        %get3A_162 = tpu.vector_load %arg17[%get3A_160, %get3A_161] {strides = array<i32>} : memref<128x128xf32, #tpu.memory_space<vmem>>, vector<1x16xf32>,
        %get3A_163 = vector.shape_cast %get3A_162 : vector<1x16xf32> to vector<16xf32>
        %mul3A_164 = arith.mulf %get3A_163, %exp3A : vector<16xf32>
        %swap3A_165 = arith.index_cast %scan3A_91 : i32 to index
        %swap3A_166 = arith.constant 48 : index
        %swap3A_167 = tpu.vector_load %arg17[%swap3A_165, %swap3A_166] {strides = array<i32>} : memref<128x128xf32, #tpu.memory_space<vmem>>, vector<1x16xf32>,
        %swap3A_168 = vector.shape_cast %swap3A_167 : vector<1x16xf32> to vector<16xf32>
        %swap3A_169 = vector.shape_cast %mul3A_164 : vector<16xf32> to vector<1x16xf32>
        tpu.vector_store %arg17[%swap3A_165, %swap3A_166], %swap3A_169 {strides = array<i32>} : memref<128x128xf32, #tpu.memory_space<vmem>>, vector<1x16xf32>,
        %get3A_170 = arith.index_cast %scan3A_91 : i32 to index
        %get3A_171 = arith.constant 64 : index
        %get3A_172 = tpu.vector_load %arg17[%get3A_170, %get3A_171] {strides = array<i32>} : memref<128x128xf32, #tpu.memory_space<vmem>>, vector<1x16xf32>,
        %get3A_173 = vector.shape_cast %get3A_172 : vector<1x16xf32> to vector<16xf32>
        %mul3A_174 = arith.mulf %get3A_173, %exp3A_117 : vector<16xf32>
        %swap3A_175 = arith.index_cast %scan3A_91 : i32 to index
        %swap3A_176 = arith.constant 64 : index
        %swap3A_177 = tpu.vector_load %arg17[%swap3A_175, %swap3A_176] {strides = array<i32>} : memref<128x128xf32, #tpu.memory_space<vmem>>, vector<1x16xf32>,
        %swap3A_178 = vector.shape_cast %swap3A_177 : vector<1x16xf32> to vector<16xf32>
        %swap3A_179 = vector.shape_cast %mul3A_174 : vector<16xf32> to vector<1x16xf32>
        tpu.vector_store %arg17[%swap3A_175, %swap3A_176], %swap3A_179 {strides = array<i32>} : memref<128x128xf32, #tpu.memory_space<vmem>>, vector<1x16xf32>,
        %get3A_180 = arith.index_cast %scan3A_91 : i32 to index
        %get3A_181 = arith.constant 80 : index
        %get3A_182 = tpu.vector_load %arg17[%get3A_180, %get3A_181] {strides = array<i32>} : memref<128x128xf32, #tpu.memory_space<vmem>>, vector<1x16xf32>,
        %get3A_183 = vector.shape_cast %get3A_182 : vector<1x16xf32> to vector<16xf32>
        %mul3A_184 = arith.mulf %get3A_183, %exp3A_117 : vector<16xf32>
        %swap3A_185 = arith.index_cast %scan3A_91 : i32 to index
        %swap3A_186 = arith.constant 80 : index
        %swap3A_187 = tpu.vector_load %arg17[%swap3A_185, %swap3A_186] {strides = array<i32>} : memref<128x128xf32, #tpu.memory_space<vmem>>, vector<1x16xf32>,
        %swap3A_188 = vector.shape_cast %swap3A_187 : vector<1x16xf32> to vector<16xf32>
        %swap3A_189 = vector.shape_cast %mul3A_184 : vector<16xf32> to vector<1x16xf32>
        tpu.vector_store %arg17[%swap3A_185, %swap3A_186], %swap3A_189 {strides = array<i32>} : memref<128x128xf32, #tpu.memory_space<vmem>>, vector<1x16xf32>,
        %get3A_190 = arith.index_cast %scan3A_91 : i32 to index
        %get3A_191 = arith.constant 96 : index
        %get3A_192 = tpu.vector_load %arg17[%get3A_190, %get3A_191] {strides = array<i32>} : memref<128x128xf32, #tpu.memory_space<vmem>>, vector<1x16xf32>,
        %get3A_193 = vector.shape_cast %get3A_192 : vector<1x16xf32> to vector<16xf32>
        %mul3A_194 = arith.mulf %get3A_193, %exp3A_117 : vector<16xf32>
        %swap3A_195 = arith.index_cast %scan3A_91 : i32 to index
        %swap3A_196 = arith.constant 96 : index
        %swap3A_197 = tpu.vector_load %arg17[%swap3A_195, %swap3A_196] {strides = array<i32>} : memref<128x128xf32, #tpu.memory_space<vmem>>, vector<1x16xf32>,
        %swap3A_198 = vector.shape_cast %swap3A_197 : vector<1x16xf32> to vector<16xf32>
        %swap3A_199 = vector.shape_cast %mul3A_194 : vector<16xf32> to vector<1x16xf32>
        tpu.vector_store %arg17[%swap3A_195, %swap3A_196], %swap3A_199 {strides = array<i32>} : memref<128x128xf32, #tpu.memory_space<vmem>>, vector<1x16xf32>,
        %get3A_200 = arith.index_cast %scan3A_91 : i32 to index
        %get3A_201 = arith.constant 112 : index
        %get3A_202 = tpu.vector_load %arg17[%get3A_200, %get3A_201] {strides = array<i32>} : memref<128x128xf32, #tpu.memory_space<vmem>>, vector<1x16xf32>,
        %get3A_203 = vector.shape_cast %get3A_202 : vector<1x16xf32> to vector<16xf32>
        %mul3A_204 = arith.mulf %get3A_203, %exp3A_117 : vector<16xf32>
        %swap3A_205 = arith.index_cast %scan3A_91 : i32 to index
        %swap3A_206 = arith.constant 112 : index
        %swap3A_207 = tpu.vector_load %arg17[%swap3A_205, %swap3A_206] {strides = array<i32>} : memref<128x128xf32, #tpu.memory_space<vmem>>, vector<1x16xf32>,
        %swap3A_208 = vector.shape_cast %swap3A_207 : vector<1x16xf32> to vector<16xf32>
        %swap3A_209 = vector.shape_cast %mul3A_204 : vector<16xf32> to vector<1x16xf32>
        tpu.vector_store %arg17[%swap3A_205, %swap3A_206], %swap3A_209 {strides = array<i32>} : memref<128x128xf32, #tpu.memory_space<vmem>>, vector<1x16xf32>,
        %scan3A_210 = arith.constant 0 : i32
        scf.yield %scan3A_210 : i32
      }
      %scan3A_89 = arith.constant 128 : i32
      "tpu.region"() ({
        %run_scoped3A = tpu.sem_alloc : memref<!tpu.dma_semaphore, #tpu.memory_space<semaphore_mem>>
        %dma_start3A_91 = arith.constant 0 : i32
        %dma_start3A_92 = arith.constant 0 : i32
        %dma_start3A_93 = tpu.memref_slice %arg19[%dma_start3A_91, %dma_start3A_92] : memref<10000x128xf32, #tpu.memory_space<vmem_shared>> -> memref<10000x128xf32, #tpu.memory_space<vmem_shared>>
        tpu.enqueue_indirect_dma source(%arg17 : memref<128x128xf32, #tpu.memory_space<vmem>>) target(%dma_start3A_93 : memref<10000x128xf32, #tpu.memory_space<vmem_shared>>) offsets(%arg14 : memref<128xi32, #tpu.memory_space<vmem>>) semaphore(%run_scoped3A : memref<!tpu.dma_semaphore, #tpu.memory_space<semaphore_mem>>) {add = true}
        %dma_wait3A_94 = arith.constant 0 : i32
        %dma_wait3A_95 = arith.constant 0 : i32
        %dma_wait3A_96 = tpu.memref_slice %arg19[%dma_wait3A_94, %dma_wait3A_95] : memref<10000x128xf32, #tpu.memory_space<vmem_shared>> -> memref<10000x128xf32, #tpu.memory_space<vmem_shared>>
        tpu.wait_indirect_dma semaphore(%run_scoped3A : memref<!tpu.dma_semaphore, #tpu.memory_space<semaphore_mem>>) src(%arg17 : memref<128x128xf32, #tpu.memory_space<vmem>>) dst(%dma_wait3A_96 : memref<10000x128xf32, #tpu.memory_space<vmem_shared>>)
        tpu.yield
      }) : () -> ()
      "tpu.region"() ({
        %run_scoped3A = tpu.sem_alloc : memref<!tpu.dma_semaphore, #tpu.memory_space<semaphore_mem>>
        %dma_start3A_91 = arith.constant 0 : i32
        %dma_start3A_92 = arith.constant 0 : i32
        %dma_start3A_93 = tpu.memref_slice %arg20[%dma_start3A_91, %dma_start3A_92] : memref<10000x16xf32, #tpu.memory_space<vmem_shared>> -> memref<10000x16xf32, #tpu.memory_space<vmem_shared>>
        tpu.enqueue_indirect_dma source(%arg18 : memref<128x16xf32, #tpu.memory_space<vmem>>) target(%dma_start3A_93 : memref<10000x16xf32, #tpu.memory_space<vmem_shared>>) offsets(%arg14 : memref<128xi32, #tpu.memory_space<vmem>>) semaphore(%run_scoped3A : memref<!tpu.dma_semaphore, #tpu.memory_space<semaphore_mem>>) {add = true}
        %dma_wait3A_94 = arith.constant 0 : i32
        %dma_wait3A_95 = arith.constant 0 : i32
        %dma_wait3A_96 = tpu.memref_slice %arg20[%dma_wait3A_94, %dma_wait3A_95] : memref<10000x16xf32, #tpu.memory_space<vmem_shared>> -> memref<10000x16xf32, #tpu.memory_space<vmem_shared>>
        tpu.wait_indirect_dma semaphore(%run_scoped3A : memref<!tpu.dma_semaphore, #tpu.memory_space<semaphore_mem>>) src(%arg18 : memref<128x16xf32, #tpu.memory_space<vmem>>) dst(%dma_wait3A_96 : memref<10000x16xf32, #tpu.memory_space<vmem_shared>>)
        tpu.yield
      }) : () -> ()
      %while3A_90 = arith.constant 0 : i32
      scf.yield %while3A_90 : i32
    }
    %while3A_41 = arith.constant 1 : i32
    %while3A_42 = scf.for %while3A_54 = %while3A_38 to %while3A_34 step %while3A_41 iter_args(%while3A_55 = %while3A_40) -> (i32)  : i32 {
      %mul3A_56 = arith.constant 16 : i32
      %mul3A_57 = arith.muli %mul3A_56, %while3A_54 : i32
      %add3A_58 = arith.addi %arg1, %mul3A_57 : i32
      %mul3A_59 = arith.constant 128 : i32
      %mul3A_60 = arith.muli %add3A_58, %mul3A_59 : i32
      "tpu.region"() ({
        %run_scoped3A = tpu.sem_alloc : memref<!tpu.dma_semaphore, #tpu.memory_space<semaphore_mem>>
        %dma_start3A_91 = tpu.memref_slice %arg5[%mul3A_60] : memref<160000xi32, #tpu.memory_space<hbm>> -> memref<128xi32, #tpu.memory_space<hbm>>
        %dma_start3A_92 = tpu.memref_slice %arg5[%mul3A_60] : memref<160000xi32, #tpu.memory_space<hbm>> -> memref<128xi32, #tpu.memory_space<hbm>>
        tpu.enqueue_dma source(%dma_start3A_92 : memref<128xi32, #tpu.memory_space<hbm>>) target(%arg13 : memref<128xi32, #tpu.memory_space<vmem>>) target_semaphore(%run_scoped3A : memref<!tpu.dma_semaphore, #tpu.memory_space<semaphore_mem>>)
        %dma_wait3A_93 = tpu.memref_slice %arg5[%mul3A_60] : memref<160000xi32, #tpu.memory_space<hbm>> -> memref<128xi32, #tpu.memory_space<hbm>>
        %dma_wait3A_94 = tpu.memref_slice %arg5[%mul3A_60] : memref<160000xi32, #tpu.memory_space<hbm>> -> memref<128xi32, #tpu.memory_space<hbm>>
        tpu.wait_dma2 semaphore(%run_scoped3A : memref<!tpu.dma_semaphore, #tpu.memory_space<semaphore_mem>>) src(%dma_wait3A_94 : memref<128xi32, #tpu.memory_space<hbm>>) dst(%arg13 : memref<128xi32, #tpu.memory_space<vmem>>)
        tpu.yield
      }) : () -> ()
      "tpu.region"() ({
        %run_scoped3A = tpu.sem_alloc : memref<!tpu.dma_semaphore, #tpu.memory_space<semaphore_mem>>
        %dma_start3A_91 = tpu.memref_slice %arg6[%mul3A_60] : memref<160000xi32, #tpu.memory_space<hbm>> -> memref<128xi32, #tpu.memory_space<hbm>>
        %dma_start3A_92 = tpu.memref_slice %arg6[%mul3A_60] : memref<160000xi32, #tpu.memory_space<hbm>> -> memref<128xi32, #tpu.memory_space<hbm>>
        tpu.enqueue_dma source(%dma_start3A_92 : memref<128xi32, #tpu.memory_space<hbm>>) target(%arg14 : memref<128xi32, #tpu.memory_space<vmem>>) target_semaphore(%run_scoped3A : memref<!tpu.dma_semaphore, #tpu.memory_space<semaphore_mem>>)
        %dma_wait3A_93 = tpu.memref_slice %arg6[%mul3A_60] : memref<160000xi32, #tpu.memory_space<hbm>> -> memref<128xi32, #tpu.memory_space<hbm>>
        %dma_wait3A_94 = tpu.memref_slice %arg6[%mul3A_60] : memref<160000xi32, #tpu.memory_space<hbm>> -> memref<128xi32, #tpu.memory_space<hbm>>
        tpu.wait_dma2 semaphore(%run_scoped3A : memref<!tpu.dma_semaphore, #tpu.memory_space<semaphore_mem>>) src(%dma_wait3A_94 : memref<128xi32, #tpu.memory_space<hbm>>) dst(%arg14 : memref<128xi32, #tpu.memory_space<vmem>>)
        tpu.yield
      }) : () -> ()
      %scan3A = arith.constant 0 : i32
      %scan3A_61 = arith.constant 0 : i32
      %scan3A_62 = arith.constant 8 : i32
      %scan3A_63 = arith.addi %scan3A_61, %scan3A_62 : i32
      %scan3A_64 = arith.constant 1 : i32
      %scan3A_65 = scf.for %scan3A_91 = %scan3A_61 to %scan3A_63 step %scan3A_64 iter_args(%scan3A_92 = %scan3A) -> (i32)  : i32 {
        %mul3A_93 = arith.constant 16 : i32
        %mul3A_94 = arith.muli %scan3A_91, %mul3A_93 : i32
        %get3A = arith.index_cast %mul3A_94 : i32 to index
        %get3A_95 = tpu.vector_load %arg13[%get3A] {strides = array<i32>} : memref<128xi32, #tpu.memory_space<vmem>>, vector<16xi32>,
        %get3A_96 = vector.shape_cast %get3A_95 : vector<16xi32> to vector<16xi32>
        %add3A_97 = vector.broadcast %mul3A_6 : i32 to vector<16xi32>
        %add3A_98 = arith.addi %get3A_96, %add3A_97 : vector<16xi32>
        %mul3A_99 = arith.constant 16 : i32
        %mul3A_100 = arith.muli %scan3A_91, %mul3A_99 : i32
        %swap3A = arith.index_cast %mul3A_100 : i32 to index
        %swap3A_101 = tpu.vector_load %arg15[%swap3A] {strides = array<i32>} : memref<128xi32, #tpu.memory_space<vmem>>, vector<16xi32>,
        %swap3A_102 = vector.shape_cast %swap3A_101 : vector<16xi32> to vector<16xi32>
        %swap3A_103 = vector.shape_cast %add3A_98 : vector<16xi32> to vector<16xi32>
        tpu.vector_store %arg15[%swap3A], %swap3A_103 {strides = array<i32>} : memref<128xi32, #tpu.memory_space<vmem>>, vector<16xi32>,
        %mul3A_104 = arith.constant 16 : i32
        %mul3A_105 = arith.muli %scan3A_91, %mul3A_104 : i32
        %get3A_106 = arith.index_cast %mul3A_105 : i32 to index
        %get3A_107 = tpu.vector_load %arg14[%get3A_106] {strides = array<i32>} : memref<128xi32, #tpu.memory_space<vmem>>, vector<16xi32>,
        %get3A_108 = vector.shape_cast %get3A_107 : vector<16xi32> to vector<16xi32>
        %add3A_109 = vector.broadcast %mul3A_6 : i32 to vector<16xi32>
        %add3A_110 = arith.addi %get3A_108, %add3A_109 : vector<16xi32>
        %mul3A_111 = arith.constant 16 : i32
        %mul3A_112 = arith.muli %scan3A_91, %mul3A_111 : i32
        %swap3A_113 = arith.index_cast %mul3A_112 : i32 to index
        %swap3A_114 = tpu.vector_load %arg16[%swap3A_113] {strides = array<i32>} : memref<128xi32, #tpu.memory_space<vmem>>, vector<16xi32>,
        %swap3A_115 = vector.shape_cast %swap3A_114 : vector<16xi32> to vector<16xi32>
        %swap3A_116 = vector.shape_cast %add3A_110 : vector<16xi32> to vector<16xi32>
        tpu.vector_store %arg16[%swap3A_113], %swap3A_116 {strides = array<i32>} : memref<128xi32, #tpu.memory_space<vmem>>, vector<16xi32>,
        %scan3A_117 = arith.constant 0 : i32
        scf.yield %scan3A_117 : i32
      }
      %scan3A_66 = arith.constant 8 : i32
      %dma_start3A = arith.constant 0 : i32
      %dma_start3A_67 = arith.constant 0 : i32
      %dma_start3A_68 = tpu.memref_slice %arg2[%dma_start3A, %dma_start3A_67] : memref<20000x128xf32, #tpu.memory_space<hbm>> -> memref<20000x128xf32, #tpu.memory_space<hbm>>
      tpu.enqueue_indirect_dma source(%dma_start3A_68 : memref<20000x128xf32, #tpu.memory_space<hbm>>) target(%arg17 : memref<128x128xf32, #tpu.memory_space<vmem>>) offsets(%arg15 : memref<128xi32, #tpu.memory_space<vmem>>) semaphore(%arg21 : memref<!tpu.dma_semaphore, #tpu.memory_space<semaphore_mem>>)
      %dma_start3A_69 = arith.constant 0 : i32
      %dma_start3A_70 = arith.constant 0 : i32
      %dma_start3A_71 = tpu.memref_slice %arg3[%dma_start3A_69, %dma_start3A_70] : memref<20000x32xf32, #tpu.memory_space<hbm>> -> memref<20000x32xf32, #tpu.memory_space<hbm>>
      tpu.enqueue_indirect_dma source(%dma_start3A_71 : memref<20000x32xf32, #tpu.memory_space<hbm>>) target(%arg11 : memref<128x32xf32, #tpu.memory_space<vmem>>) offsets(%arg15 : memref<128xi32, #tpu.memory_space<vmem>>) semaphore(%arg21 : memref<!tpu.dma_semaphore, #tpu.memory_space<semaphore_mem>>)
      %dma_start3A_72 = arith.constant 0 : i32
      %dma_start3A_73 = arith.constant 0 : i32
      %dma_start3A_74 = tpu.memref_slice %arg4[%dma_start3A_72, %dma_start3A_73] : memref<20000x32xf32, #tpu.memory_space<hbm>> -> memref<20000x32xf32, #tpu.memory_space<hbm>>
      tpu.enqueue_indirect_dma source(%dma_start3A_74 : memref<20000x32xf32, #tpu.memory_space<hbm>>) target(%arg12 : memref<128x32xf32, #tpu.memory_space<vmem>>) offsets(%arg16 : memref<128xi32, #tpu.memory_space<vmem>>) semaphore(%arg21 : memref<!tpu.dma_semaphore, #tpu.memory_space<semaphore_mem>>)
      %dma_wait3A = arith.constant 0 : i32
      %dma_wait3A_75 = arith.constant 0 : i32
      %dma_wait3A_76 = tpu.memref_slice %arg2[%dma_wait3A, %dma_wait3A_75] : memref<20000x128xf32, #tpu.memory_space<hbm>> -> memref<20000x128xf32, #tpu.memory_space<hbm>>
      tpu.wait_indirect_dma semaphore(%arg21 : memref<!tpu.dma_semaphore, #tpu.memory_space<semaphore_mem>>) src(%dma_wait3A_76 : memref<20000x128xf32, #tpu.memory_space<hbm>>) dst(%arg17 : memref<128x128xf32, #tpu.memory_space<vmem>>)
      %dma_wait3A_77 = arith.constant 0 : i32
      %dma_wait3A_78 = arith.constant 0 : i32
      %dma_wait3A_79 = tpu.memref_slice %arg3[%dma_wait3A_77, %dma_wait3A_78] : memref<20000x32xf32, #tpu.memory_space<hbm>> -> memref<20000x32xf32, #tpu.memory_space<hbm>>
      tpu.wait_indirect_dma semaphore(%arg21 : memref<!tpu.dma_semaphore, #tpu.memory_space<semaphore_mem>>) src(%dma_wait3A_79 : memref<20000x32xf32, #tpu.memory_space<hbm>>) dst(%arg11 : memref<128x32xf32, #tpu.memory_space<vmem>>)
      %dma_wait3A_80 = arith.constant 0 : i32
      %dma_wait3A_81 = arith.constant 0 : i32
      %dma_wait3A_82 = tpu.memref_slice %arg4[%dma_wait3A_80, %dma_wait3A_81] : memref<20000x32xf32, #tpu.memory_space<hbm>> -> memref<20000x32xf32, #tpu.memory_space<hbm>>
      tpu.wait_indirect_dma semaphore(%arg21 : memref<!tpu.dma_semaphore, #tpu.memory_space<semaphore_mem>>) src(%dma_wait3A_82 : memref<20000x32xf32, #tpu.memory_space<hbm>>) dst(%arg12 : memref<128x32xf32, #tpu.memory_space<vmem>>)
      %scan3A_83 = arith.constant 0 : i32
      %scan3A_84 = arith.constant 0 : i32
      %scan3A_85 = arith.constant 128 : i32
      %scan3A_86 = arith.addi %scan3A_84, %scan3A_85 : i32
      %scan3A_87 = arith.constant 1 : i32
      %scan3A_88 = scf.for %scan3A_91 = %scan3A_84 to %scan3A_86 step %scan3A_87 iter_args(%scan3A_92 = %scan3A_83) -> (i32)  : i32 {
        %get3A = arith.index_cast %scan3A_91 : i32 to index
        %get3A_93 = arith.constant 0 : index
        %get3A_94 = tpu.vector_load %arg11[%get3A, %get3A_93] {strides = array<i32>} : memref<128x32xf32, #tpu.memory_space<vmem>>, vector<1x16xf32>,
        %get3A_95 = vector.shape_cast %get3A_94 : vector<1x16xf32> to vector<16xf32>
        %get3A_96 = arith.index_cast %scan3A_91 : i32 to index
        %get3A_97 = arith.constant 0 : index
        %get3A_98 = tpu.vector_load %arg12[%get3A_96, %get3A_97] {strides = array<i32>} : memref<128x32xf32, #tpu.memory_space<vmem>>, vector<1x16xf32>,
        %get3A_99 = vector.shape_cast %get3A_98 : vector<1x16xf32> to vector<16xf32>
        %add3A_100 = arith.addf %get3A_95, %get3A_99 : vector<16xf32>
        %mul3A_101 = arith.constant 2.000000e-01 : f32
        %mul3A_102 = vector.broadcast %mul3A_101 : f32 to vector<16xf32>
        %mul3A_103 = arith.mulf %mul3A_102, %add3A_100 : vector<16xf32>
        %max3A = arith.maximumf %add3A_100, %mul3A_103 : vector<16xf32>
        %exp3A = math.exp %max3A : vector<16xf32>
        %get3A_104 = arith.index_cast %scan3A_91 : i32 to index
        %get3A_105 = arith.constant 16 : index
        %get3A_106 = tpu.vector_load %arg11[%get3A_104, %get3A_105] {strides = array<i32>} : memref<128x32xf32, #tpu.memory_space<vmem>>, vector<1x16xf32>,
        %get3A_107 = vector.shape_cast %get3A_106 : vector<1x16xf32> to vector<16xf32>
        %get3A_108 = arith.index_cast %scan3A_91 : i32 to index
        %get3A_109 = arith.constant 16 : index
        %get3A_110 = tpu.vector_load %arg12[%get3A_108, %get3A_109] {strides = array<i32>} : memref<128x32xf32, #tpu.memory_space<vmem>>, vector<1x16xf32>,
        %get3A_111 = vector.shape_cast %get3A_110 : vector<1x16xf32> to vector<16xf32>
        %add3A_112 = arith.addf %get3A_107, %get3A_111 : vector<16xf32>
        %mul3A_113 = arith.constant 2.000000e-01 : f32
        %mul3A_114 = vector.broadcast %mul3A_113 : f32 to vector<16xf32>
        %mul3A_115 = arith.mulf %mul3A_114, %add3A_112 : vector<16xf32>
        %max3A_116 = arith.maximumf %add3A_112, %mul3A_115 : vector<16xf32>
        %exp3A_117 = math.exp %max3A_116 : vector<16xf32>
        %lt3A_118 = arith.constant 6 : i32
        %lt3A_119 = vector.broadcast %lt3A_118 : i32 to vector<16xi32>
        %lt3A_120 = arith.cmpi slt, %iota3A, %lt3A_119 : vector<16xi32>
        %lt3A_121 = arith.constant 12 : i32
        %lt3A_122 = vector.broadcast %lt3A_121 : i32 to vector<16xi32>
        %lt3A_123 = arith.cmpi slt, %iota3A, %lt3A_122 : vector<16xi32>
        %select_n3A_124 = arith.select %lt3A_123, %exp3A_117, %add3A_10 : vector<16xi1>, vector<16xf32>
        %select_n3A_125 = arith.select %lt3A_120, %exp3A, %select_n3A_124 : vector<16xi1>, vector<16xf32>
        %swap3A = arith.index_cast %scan3A_91 : i32 to index
        %swap3A_126 = arith.constant 0 : index
        %swap3A_127 = tpu.vector_load %arg18[%swap3A, %swap3A_126] {strides = array<i32>} : memref<128x16xf32, #tpu.memory_space<vmem>>, vector<1x16xf32>,
        %swap3A_128 = vector.shape_cast %swap3A_127 : vector<1x16xf32> to vector<16xf32>
        %swap3A_129 = vector.shape_cast %select_n3A_125 : vector<16xf32> to vector<1x16xf32>
        tpu.vector_store %arg18[%swap3A, %swap3A_126], %swap3A_129 {strides = array<i32>} : memref<128x16xf32, #tpu.memory_space<vmem>>, vector<1x16xf32>,
        %get3A_130 = arith.index_cast %scan3A_91 : i32 to index
        %get3A_131 = arith.constant 0 : index
        %get3A_132 = tpu.vector_load %arg17[%get3A_130, %get3A_131] {strides = array<i32>} : memref<128x128xf32, #tpu.memory_space<vmem>>, vector<1x16xf32>,
        %get3A_133 = vector.shape_cast %get3A_132 : vector<1x16xf32> to vector<16xf32>
        %mul3A_134 = arith.mulf %get3A_133, %exp3A : vector<16xf32>
        %swap3A_135 = arith.index_cast %scan3A_91 : i32 to index
        %swap3A_136 = arith.constant 0 : index
        %swap3A_137 = tpu.vector_load %arg17[%swap3A_135, %swap3A_136] {strides = array<i32>} : memref<128x128xf32, #tpu.memory_space<vmem>>, vector<1x16xf32>,
        %swap3A_138 = vector.shape_cast %swap3A_137 : vector<1x16xf32> to vector<16xf32>
        %swap3A_139 = vector.shape_cast %mul3A_134 : vector<16xf32> to vector<1x16xf32>
        tpu.vector_store %arg17[%swap3A_135, %swap3A_136], %swap3A_139 {strides = array<i32>} : memref<128x128xf32, #tpu.memory_space<vmem>>, vector<1x16xf32>,
        %get3A_140 = arith.index_cast %scan3A_91 : i32 to index
        %get3A_141 = arith.constant 16 : index
        %get3A_142 = tpu.vector_load %arg17[%get3A_140, %get3A_141] {strides = array<i32>} : memref<128x128xf32, #tpu.memory_space<vmem>>, vector<1x16xf32>,
        %get3A_143 = vector.shape_cast %get3A_142 : vector<1x16xf32> to vector<16xf32>
        %mul3A_144 = arith.mulf %get3A_143, %exp3A : vector<16xf32>
        %swap3A_145 = arith.index_cast %scan3A_91 : i32 to index
        %swap3A_146 = arith.constant 16 : index
        %swap3A_147 = tpu.vector_load %arg17[%swap3A_145, %swap3A_146] {strides = array<i32>} : memref<128x128xf32, #tpu.memory_space<vmem>>, vector<1x16xf32>,
        %swap3A_148 = vector.shape_cast %swap3A_147 : vector<1x16xf32> to vector<16xf32>
        %swap3A_149 = vector.shape_cast %mul3A_144 : vector<16xf32> to vector<1x16xf32>
        tpu.vector_store %arg17[%swap3A_145, %swap3A_146], %swap3A_149 {strides = array<i32>} : memref<128x128xf32, #tpu.memory_space<vmem>>, vector<1x16xf32>,
        %get3A_150 = arith.index_cast %scan3A_91 : i32 to index
        %get3A_151 = arith.constant 32 : index
        %get3A_152 = tpu.vector_load %arg17[%get3A_150, %get3A_151] {strides = array<i32>} : memref<128x128xf32, #tpu.memory_space<vmem>>, vector<1x16xf32>,
        %get3A_153 = vector.shape_cast %get3A_152 : vector<1x16xf32> to vector<16xf32>
        %mul3A_154 = arith.mulf %get3A_153, %exp3A : vector<16xf32>
        %swap3A_155 = arith.index_cast %scan3A_91 : i32 to index
        %swap3A_156 = arith.constant 32 : index
        %swap3A_157 = tpu.vector_load %arg17[%swap3A_155, %swap3A_156] {strides = array<i32>} : memref<128x128xf32, #tpu.memory_space<vmem>>, vector<1x16xf32>,
        %swap3A_158 = vector.shape_cast %swap3A_157 : vector<1x16xf32> to vector<16xf32>
        %swap3A_159 = vector.shape_cast %mul3A_154 : vector<16xf32> to vector<1x16xf32>
        tpu.vector_store %arg17[%swap3A_155, %swap3A_156], %swap3A_159 {strides = array<i32>} : memref<128x128xf32, #tpu.memory_space<vmem>>, vector<1x16xf32>,
        %get3A_160 = arith.index_cast %scan3A_91 : i32 to index
        %get3A_161 = arith.constant 48 : index
        %get3A_162 = tpu.vector_load %arg17[%get3A_160, %get3A_161] {strides = array<i32>} : memref<128x128xf32, #tpu.memory_space<vmem>>, vector<1x16xf32>,
        %get3A_163 = vector.shape_cast %get3A_162 : vector<1x16xf32> to vector<16xf32>
        %mul3A_164 = arith.mulf %get3A_163, %exp3A : vector<16xf32>
        %swap3A_165 = arith.index_cast %scan3A_91 : i32 to index
        %swap3A_166 = arith.constant 48 : index
        %swap3A_167 = tpu.vector_load %arg17[%swap3A_165, %swap3A_166] {strides = array<i32>} : memref<128x128xf32, #tpu.memory_space<vmem>>, vector<1x16xf32>,
        %swap3A_168 = vector.shape_cast %swap3A_167 : vector<1x16xf32> to vector<16xf32>
        %swap3A_169 = vector.shape_cast %mul3A_164 : vector<16xf32> to vector<1x16xf32>
        tpu.vector_store %arg17[%swap3A_165, %swap3A_166], %swap3A_169 {strides = array<i32>} : memref<128x128xf32, #tpu.memory_space<vmem>>, vector<1x16xf32>,
        %get3A_170 = arith.index_cast %scan3A_91 : i32 to index
        %get3A_171 = arith.constant 64 : index
        %get3A_172 = tpu.vector_load %arg17[%get3A_170, %get3A_171] {strides = array<i32>} : memref<128x128xf32, #tpu.memory_space<vmem>>, vector<1x16xf32>,
        %get3A_173 = vector.shape_cast %get3A_172 : vector<1x16xf32> to vector<16xf32>
        %mul3A_174 = arith.mulf %get3A_173, %exp3A_117 : vector<16xf32>
        %swap3A_175 = arith.index_cast %scan3A_91 : i32 to index
        %swap3A_176 = arith.constant 64 : index
        %swap3A_177 = tpu.vector_load %arg17[%swap3A_175, %swap3A_176] {strides = array<i32>} : memref<128x128xf32, #tpu.memory_space<vmem>>, vector<1x16xf32>,
        %swap3A_178 = vector.shape_cast %swap3A_177 : vector<1x16xf32> to vector<16xf32>
        %swap3A_179 = vector.shape_cast %mul3A_174 : vector<16xf32> to vector<1x16xf32>
        tpu.vector_store %arg17[%swap3A_175, %swap3A_176], %swap3A_179 {strides = array<i32>} : memref<128x128xf32, #tpu.memory_space<vmem>>, vector<1x16xf32>,
        %get3A_180 = arith.index_cast %scan3A_91 : i32 to index
        %get3A_181 = arith.constant 80 : index
        %get3A_182 = tpu.vector_load %arg17[%get3A_180, %get3A_181] {strides = array<i32>} : memref<128x128xf32, #tpu.memory_space<vmem>>, vector<1x16xf32>,
        %get3A_183 = vector.shape_cast %get3A_182 : vector<1x16xf32> to vector<16xf32>
        %mul3A_184 = arith.mulf %get3A_183, %exp3A_117 : vector<16xf32>
        %swap3A_185 = arith.index_cast %scan3A_91 : i32 to index
        %swap3A_186 = arith.constant 80 : index
        %swap3A_187 = tpu.vector_load %arg17[%swap3A_185, %swap3A_186] {strides = array<i32>} : memref<128x128xf32, #tpu.memory_space<vmem>>, vector<1x16xf32>,
        %swap3A_188 = vector.shape_cast %swap3A_187 : vector<1x16xf32> to vector<16xf32>
        %swap3A_189 = vector.shape_cast %mul3A_184 : vector<16xf32> to vector<1x16xf32>
        tpu.vector_store %arg17[%swap3A_185, %swap3A_186], %swap3A_189 {strides = array<i32>} : memref<128x128xf32, #tpu.memory_space<vmem>>, vector<1x16xf32>,
        %get3A_190 = arith.index_cast %scan3A_91 : i32 to index
        %get3A_191 = arith.constant 96 : index
        %get3A_192 = tpu.vector_load %arg17[%get3A_190, %get3A_191] {strides = array<i32>} : memref<128x128xf32, #tpu.memory_space<vmem>>, vector<1x16xf32>,
        %get3A_193 = vector.shape_cast %get3A_192 : vector<1x16xf32> to vector<16xf32>
        %mul3A_194 = arith.mulf %get3A_193, %exp3A_117 : vector<16xf32>
        %swap3A_195 = arith.index_cast %scan3A_91 : i32 to index
        %swap3A_196 = arith.constant 96 : index
        %swap3A_197 = tpu.vector_load %arg17[%swap3A_195, %swap3A_196] {strides = array<i32>} : memref<128x128xf32, #tpu.memory_space<vmem>>, vector<1x16xf32>,
        %swap3A_198 = vector.shape_cast %swap3A_197 : vector<1x16xf32> to vector<16xf32>
        %swap3A_199 = vector.shape_cast %mul3A_194 : vector<16xf32> to vector<1x16xf32>
        tpu.vector_store %arg17[%swap3A_195, %swap3A_196], %swap3A_199 {strides = array<i32>} : memref<128x128xf32, #tpu.memory_space<vmem>>, vector<1x16xf32>,
        %get3A_200 = arith.index_cast %scan3A_91 : i32 to index
        %get3A_201 = arith.constant 112 : index
        %get3A_202 = tpu.vector_load %arg17[%get3A_200, %get3A_201] {strides = array<i32>} : memref<128x128xf32, #tpu.memory_space<vmem>>, vector<1x16xf32>,
        %get3A_203 = vector.shape_cast %get3A_202 : vector<1x16xf32> to vector<16xf32>
        %mul3A_204 = arith.mulf %get3A_203, %exp3A_117 : vector<16xf32>
        %swap3A_205 = arith.index_cast %scan3A_91 : i32 to index
        %swap3A_206 = arith.constant 112 : index
        %swap3A_207 = tpu.vector_load %arg17[%swap3A_205, %swap3A_206] {strides = array<i32>} : memref<128x128xf32, #tpu.memory_space<vmem>>, vector<1x16xf32>,
        %swap3A_208 = vector.shape_cast %swap3A_207 : vector<1x16xf32> to vector<16xf32>
        %swap3A_209 = vector.shape_cast %mul3A_204 : vector<16xf32> to vector<1x16xf32>
        tpu.vector_store %arg17[%swap3A_205, %swap3A_206], %swap3A_209 {strides = array<i32>} : memref<128x128xf32, #tpu.memory_space<vmem>>, vector<1x16xf32>,
        %scan3A_210 = arith.constant 0 : i32
        scf.yield %scan3A_210 : i32
      }
      %scan3A_89 = arith.constant 128 : i32
      "tpu.region"() ({
        %run_scoped3A = tpu.sem_alloc : memref<!tpu.dma_semaphore, #tpu.memory_space<semaphore_mem>>
        %dma_start3A_91 = arith.constant 0 : i32
        %dma_start3A_92 = arith.constant 0 : i32
        %dma_start3A_93 = tpu.memref_slice %arg19[%dma_start3A_91, %dma_start3A_92] : memref<10000x128xf32, #tpu.memory_space<vmem_shared>> -> memref<10000x128xf32, #tpu.memory_space<vmem_shared>>
        tpu.enqueue_indirect_dma source(%arg17 : memref<128x128xf32, #tpu.memory_space<vmem>>) target(%dma_start3A_93 : memref<10000x128xf32, #tpu.memory_space<vmem_shared>>) offsets(%arg14 : memref<128xi32, #tpu.memory_space<vmem>>) semaphore(%run_scoped3A : memref<!tpu.dma_semaphore, #tpu.memory_space<semaphore_mem>>) {add = true}
        %dma_wait3A_94 = arith.constant 0 : i32
        %dma_wait3A_95 = arith.constant 0 : i32
        %dma_wait3A_96 = tpu.memref_slice %arg19[%dma_wait3A_94, %dma_wait3A_95] : memref<10000x128xf32, #tpu.memory_space<vmem_shared>> -> memref<10000x128xf32, #tpu.memory_space<vmem_shared>>
        tpu.wait_indirect_dma semaphore(%run_scoped3A : memref<!tpu.dma_semaphore, #tpu.memory_space<semaphore_mem>>) src(%arg17 : memref<128x128xf32, #tpu.memory_space<vmem>>) dst(%dma_wait3A_96 : memref<10000x128xf32, #tpu.memory_space<vmem_shared>>)
        tpu.yield
      }) : () -> ()
      "tpu.region"() ({
        %run_scoped3A = tpu.sem_alloc : memref<!tpu.dma_semaphore, #tpu.memory_space<semaphore_mem>>
        %dma_start3A_91 = arith.constant 0 : i32
        %dma_start3A_92 = arith.constant 0 : i32
        %dma_start3A_93 = tpu.memref_slice %arg20[%dma_start3A_91, %dma_start3A_92] : memref<10000x16xf32, #tpu.memory_space<vmem_shared>> -> memref<10000x16xf32, #tpu.memory_space<vmem_shared>>
        tpu.enqueue_indirect_dma source(%arg18 : memref<128x16xf32, #tpu.memory_space<vmem>>) target(%dma_start3A_93 : memref<10000x16xf32, #tpu.memory_space<vmem_shared>>) offsets(%arg14 : memref<128xi32, #tpu.memory_space<vmem>>) semaphore(%run_scoped3A : memref<!tpu.dma_semaphore, #tpu.memory_space<semaphore_mem>>) {add = true}
        %dma_wait3A_94 = arith.constant 0 : i32
        %dma_wait3A_95 = arith.constant 0 : i32
        %dma_wait3A_96 = tpu.memref_slice %arg20[%dma_wait3A_94, %dma_wait3A_95] : memref<10000x16xf32, #tpu.memory_space<vmem_shared>> -> memref<10000x16xf32, #tpu.memory_space<vmem_shared>>
        tpu.wait_indirect_dma semaphore(%run_scoped3A : memref<!tpu.dma_semaphore, #tpu.memory_space<semaphore_mem>>) src(%arg18 : memref<128x16xf32, #tpu.memory_space<vmem>>) dst(%dma_wait3A_96 : memref<10000x16xf32, #tpu.memory_space<vmem_shared>>)
        tpu.yield
      }) : () -> ()
      %while3A_90 = arith.constant 0 : i32
      scf.yield %while3A_90 : i32
    }
    %barrier3A_43 = arith.constant 0 : index
    tpu.barrier barrier_id(%barrier3A_43)
    %lt3A_44 = arith.constant 15 : i32
    %lt3A_45 = arith.cmpi slt, %arg1, %lt3A_44 : i32
    %convert_element_type3A_46 = arith.extui %lt3A_45 : i1 to i32
    %cond3A_47 = arith.constant 0 : i32
    %cond3A_48 = arith.cmpi ne, %convert_element_type3A_46, %cond3A_47 : i32
    scf.if %cond3A_48 {
      %mul3A_54 = arith.constant 632 : i32
      %mul3A_55 = arith.muli %arg1, %mul3A_54 : i32
      %add3A_56 = arith.addi %mul3A_6, %mul3A_55 : i32
      "tpu.region"() ({
        %run_scoped3A = tpu.sem_alloc : memref<!tpu.dma_semaphore, #tpu.memory_space<semaphore_mem>>
        %dma_start3A = arith.constant 0 : i32
        %dma_start3A_57 = tpu.memref_slice %arg9[%add3A_56, %dma_start3A] : memref<20000x128xf32, #tpu.memory_space<hbm>> -> memref<632x128xf32, #tpu.memory_space<hbm>>
        %dma_start3A_58 = arith.constant 0 : i32
        %dma_start3A_59 = tpu.memref_slice %arg19[%mul3A_55, %dma_start3A_58] : memref<10000x128xf32, #tpu.memory_space<vmem_shared>> -> memref<632x128xf32, #tpu.memory_space<vmem_shared>>
        tpu.enqueue_dma source(%dma_start3A_59 : memref<632x128xf32, #tpu.memory_space<vmem_shared>>) target(%dma_start3A_57 : memref<632x128xf32, #tpu.memory_space<hbm>>) target_semaphore(%run_scoped3A : memref<!tpu.dma_semaphore, #tpu.memory_space<semaphore_mem>>)
        %dma_wait3A = arith.constant 0 : i32
        %dma_wait3A_60 = tpu.memref_slice %arg9[%add3A_56, %dma_wait3A] : memref<20000x128xf32, #tpu.memory_space<hbm>> -> memref<632x128xf32, #tpu.memory_space<hbm>>
        %dma_wait3A_61 = arith.constant 0 : i32
        %dma_wait3A_62 = tpu.memref_slice %arg19[%mul3A_55, %dma_wait3A_61] : memref<10000x128xf32, #tpu.memory_space<vmem_shared>> -> memref<632x128xf32, #tpu.memory_space<vmem_shared>>
        tpu.wait_dma2 semaphore(%run_scoped3A : memref<!tpu.dma_semaphore, #tpu.memory_space<semaphore_mem>>) src(%dma_wait3A_62 : memref<632x128xf32, #tpu.memory_space<vmem_shared>>) dst(%dma_wait3A_60 : memref<632x128xf32, #tpu.memory_space<hbm>>)
        tpu.yield
      }) : () -> ()
      "tpu.region"() ({
        %run_scoped3A = tpu.sem_alloc : memref<!tpu.dma_semaphore, #tpu.memory_space<semaphore_mem>>
        %dma_start3A = arith.constant 0 : i32
        %dma_start3A_57 = tpu.memref_slice %arg10[%add3A_56, %dma_start3A] : memref<20000x16xf32, #tpu.memory_space<hbm>> -> memref<632x16xf32, #tpu.memory_space<hbm>>
        %dma_start3A_58 = arith.constant 0 : i32
        %dma_start3A_59 = tpu.memref_slice %arg20[%mul3A_55, %dma_start3A_58] : memref<10000x16xf32, #tpu.memory_space<vmem_shared>> -> memref<632x16xf32, #tpu.memory_space<vmem_shared>>
        tpu.enqueue_dma source(%dma_start3A_59 : memref<632x16xf32, #tpu.memory_space<vmem_shared>>) target(%dma_start3A_57 : memref<632x16xf32, #tpu.memory_space<hbm>>) target_semaphore(%run_scoped3A : memref<!tpu.dma_semaphore, #tpu.memory_space<semaphore_mem>>)
        %dma_wait3A = arith.constant 0 : i32
        %dma_wait3A_60 = tpu.memref_slice %arg10[%add3A_56, %dma_wait3A] : memref<20000x16xf32, #tpu.memory_space<hbm>> -> memref<632x16xf32, #tpu.memory_space<hbm>>
        %dma_wait3A_61 = arith.constant 0 : i32
        %dma_wait3A_62 = tpu.memref_slice %arg20[%mul3A_55, %dma_wait3A_61] : memref<10000x16xf32, #tpu.memory_space<vmem_shared>> -> memref<632x16xf32, #tpu.memory_space<vmem_shared>>
        tpu.wait_dma2 semaphore(%run_scoped3A : memref<!tpu.dma_semaphore, #tpu.memory_space<semaphore_mem>>) src(%dma_wait3A_62 : memref<632x16xf32, #tpu.memory_space<vmem_shared>>) dst(%dma_wait3A_60 : memref<632x16xf32, #tpu.memory_space<hbm>>)
        tpu.yield
      }) : () -> ()
    } else {
    }
    %eq3A_49 = arith.constant 15 : i32
    %eq3A_50 = arith.cmpi eq, %arg1, %eq3A_49 : i32
    %convert_element_type3A_51 = arith.extui %eq3A_50 : i1 to i32
    %cond3A_52 = arith.constant 0 : i32
    %cond3A_53 = arith.cmpi ne, %convert_element_type3A_51, %cond3A_52 : i32
    scf.if %cond3A_53 {
      %add3A_54 = arith.constant 9480 : i32
      %add3A_55 = arith.addi %mul3A_6, %add3A_54 : i32
      "tpu.region"() ({
        %run_scoped3A = tpu.sem_alloc : memref<!tpu.dma_semaphore, #tpu.memory_space<semaphore_mem>>
        %dma_start3A = arith.constant 0 : i32
        %dma_start3A_56 = tpu.memref_slice %arg9[%add3A_55, %dma_start3A] : memref<20000x128xf32, #tpu.memory_space<hbm>> -> memref<520x128xf32, #tpu.memory_space<hbm>>
        %dma_start3A_57 = arith.constant 9480 : i32
        %dma_start3A_58 = arith.constant 0 : i32
        %dma_start3A_59 = tpu.memref_slice %arg19[%dma_start3A_57, %dma_start3A_58] : memref<10000x128xf32, #tpu.memory_space<vmem_shared>> -> memref<520x128xf32, #tpu.memory_space<vmem_shared>>
        tpu.enqueue_dma source(%dma_start3A_59 : memref<520x128xf32, #tpu.memory_space<vmem_shared>>) target(%dma_start3A_56 : memref<520x128xf32, #tpu.memory_space<hbm>>) target_semaphore(%run_scoped3A : memref<!tpu.dma_semaphore, #tpu.memory_space<semaphore_mem>>)
        %dma_wait3A = arith.constant 0 : i32
        %dma_wait3A_60 = tpu.memref_slice %arg9[%add3A_55, %dma_wait3A] : memref<20000x128xf32, #tpu.memory_space<hbm>> -> memref<520x128xf32, #tpu.memory_space<hbm>>
        %dma_wait3A_61 = arith.constant 9480 : i32
        %dma_wait3A_62 = arith.constant 0 : i32
        %dma_wait3A_63 = tpu.memref_slice %arg19[%dma_wait3A_61, %dma_wait3A_62] : memref<10000x128xf32, #tpu.memory_space<vmem_shared>> -> memref<520x128xf32, #tpu.memory_space<vmem_shared>>
        tpu.wait_dma2 semaphore(%run_scoped3A : memref<!tpu.dma_semaphore, #tpu.memory_space<semaphore_mem>>) src(%dma_wait3A_63 : memref<520x128xf32, #tpu.memory_space<vmem_shared>>) dst(%dma_wait3A_60 : memref<520x128xf32, #tpu.memory_space<hbm>>)
        tpu.yield
      }) : () -> ()
      "tpu.region"() ({
        %run_scoped3A = tpu.sem_alloc : memref<!tpu.dma_semaphore, #tpu.memory_space<semaphore_mem>>
        %dma_start3A = arith.constant 0 : i32
        %dma_start3A_56 = tpu.memref_slice %arg10[%add3A_55, %dma_start3A] : memref<20000x16xf32, #tpu.memory_space<hbm>> -> memref<520x16xf32, #tpu.memory_space<hbm>>
        %dma_start3A_57 = arith.constant 9480 : i32
        %dma_start3A_58 = arith.constant 0 : i32
        %dma_start3A_59 = tpu.memref_slice %arg20[%dma_start3A_57, %dma_start3A_58] : memref<10000x16xf32, #tpu.memory_space<vmem_shared>> -> memref<520x16xf32, #tpu.memory_space<vmem_shared>>
        tpu.enqueue_dma source(%dma_start3A_59 : memref<520x16xf32, #tpu.memory_space<vmem_shared>>) target(%dma_start3A_56 : memref<520x16xf32, #tpu.memory_space<hbm>>) target_semaphore(%run_scoped3A : memref<!tpu.dma_semaphore, #tpu.memory_space<semaphore_mem>>)
        %dma_wait3A = arith.constant 0 : i32
        %dma_wait3A_60 = tpu.memref_slice %arg10[%add3A_55, %dma_wait3A] : memref<20000x16xf32, #tpu.memory_space<hbm>> -> memref<520x16xf32, #tpu.memory_space<hbm>>
        %dma_wait3A_61 = arith.constant 9480 : i32
        %dma_wait3A_62 = arith.constant 0 : i32
        %dma_wait3A_63 = tpu.memref_slice %arg20[%dma_wait3A_61, %dma_wait3A_62] : memref<10000x16xf32, #tpu.memory_space<vmem_shared>> -> memref<520x16xf32, #tpu.memory_space<vmem_shared>>
        tpu.wait_dma2 semaphore(%run_scoped3A : memref<!tpu.dma_semaphore, #tpu.memory_space<semaphore_mem>>) src(%dma_wait3A_63 : memref<520x16xf32, #tpu.memory_space<vmem_shared>>) dst(%dma_wait3A_60 : memref<520x16xf32, #tpu.memory_space<hbm>>)
        tpu.yield
      }) : () -> ()
    } else {
    }
    return
  }
}

module attributes {stable_mosaic.version = 14 : i64} {
  func.func @_tc1_body(%arg0: i32, %arg1: memref<1000x42xf32, #tpu.memory_space<vmem>>, %arg2: memref<42x256xf32, #tpu.memory_space<vmem>>, %arg3: memref<256x4xf32, #tpu.memory_space<vmem>>, %arg4: memref<256x4xf32, #tpu.memory_space<vmem>>, %arg5: memref<1000x128xf32, #tpu.memory_space<vmem>>, %arg6: memref<1000x128xf32, #tpu.memory_space<vmem>>, %arg7: memref<1000x32xf32, #tpu.memory_space<vmem>>, %arg8: memref<1000x32xf32, #tpu.memory_space<vmem>>, %arg9: memref<1000x32xf32, #tpu.memory_space<vmem>>, %arg10: memref<1000x32xf32, #tpu.memory_space<vmem>>) attributes {dimension_semantics = [#tpu.dimension_semantics<arbitrary>], iteration_bounds = array<i64: 10>, scalar_prefetch = 0 : i64, scratch_operands = 0 : i64, tpu.core_type = #tpu.core_type<tc>, window_params = [{transform_indices = @transform_0, window_bounds = array<i64: 1000, 42>}, {pipeline_mode = #tpu.pipeline_mode<synchronous>, transform_indices = @transform_1, window_bounds = array<i64: 42, 256>}, {pipeline_mode = #tpu.pipeline_mode<synchronous>, transform_indices = @transform_2, window_bounds = array<i64: 256, 4>}, {pipeline_mode = #tpu.pipeline_mode<synchronous>, transform_indices = @transform_3, window_bounds = array<i64: 256, 4>}, {transform_indices = @transform_4, window_bounds = array<i64: 1000, 128>}, {transform_indices = @transform_5, window_bounds = array<i64: 1000, 128>}, {transform_indices = @transform_6, window_bounds = array<i64: 1000, 32>}, {transform_indices = @transform_7, window_bounds = array<i64: 1000, 32>}, {transform_indices = @transform_8, window_bounds = array<i64: 1000, 32>}, {transform_indices = @transform_9, window_bounds = array<i64: 1000, 32>}]} {
    %get3A = arith.constant 0 : index
    %get3A_0 = arith.constant 0 : index
    %get3A_1 = vector.load %arg1[%get3A, %get3A_0] : memref<1000x42xf32, #tpu.memory_space<vmem>>, vector<1000x42xf32>
    %get3A_2 = arith.constant 0 : index
    %get3A_3 = arith.constant 0 : index
    %get3A_4 = vector.load %arg2[%get3A_2, %get3A_3] : memref<42x256xf32, #tpu.memory_space<vmem>>, vector<42x256xf32>
    %dot_general3A = arith.constant dense<0.000000e+00> : vector<1000x256xf32>
    %dot_general3A_5 = tpu.matmul %get3A_1, %get3A_4, %dot_general3A {dimension_numbers = #tpu.dot_dimension_numbers<[1], [0], [0], [1], [0, 0, 1, 1], [], []>, transpose_lhs_hint = false} : vector<1000x42xf32>, vector<42x256xf32>, vector<1000x256xf32> -> vector<1000x256xf32>
    %slice3A = vector.extract_strided_slice %dot_general3A_5 {offsets = [0, 0], sizes = [1000, 128], strides = [1, 1]} : vector<1000x256xf32> to vector<1000x128xf32>
    %swap3A = arith.constant 0 : index
    %swap3A_6 = arith.constant 0 : index
    %swap3A_7 = vector.load %arg5[%swap3A, %swap3A_6] : memref<1000x128xf32, #tpu.memory_space<vmem>>, vector<1000x128xf32>
    tpu.vector_store %arg5[%swap3A, %swap3A_6], %slice3A {strides = array<i32>} : memref<1000x128xf32, #tpu.memory_space<vmem>>, vector<1000x128xf32>,
    %slice3A_8 = vector.extract_strided_slice %dot_general3A_5 {offsets = [0, 128], sizes = [1000, 128], strides = [1, 1]} : vector<1000x256xf32> to vector<1000x128xf32>
    %swap3A_9 = arith.constant 0 : index
    %swap3A_10 = arith.constant 0 : index
    %swap3A_11 = vector.load %arg6[%swap3A_9, %swap3A_10] : memref<1000x128xf32, #tpu.memory_space<vmem>>, vector<1000x128xf32>
    tpu.vector_store %arg6[%swap3A_9, %swap3A_10], %slice3A_8 {strides = array<i32>} : memref<1000x128xf32, #tpu.memory_space<vmem>>, vector<1000x128xf32>,
    %get3A_12 = arith.constant 0 : index
    %get3A_13 = arith.constant 0 : index
    %get3A_14 = vector.load %arg3[%get3A_12, %get3A_13] : memref<256x4xf32, #tpu.memory_space<vmem>>, vector<256x4xf32>
    %dot_general3A_15 = arith.constant dense<0.000000e+00> : vector<1000x4xf32>
    %dot_general3A_16 = tpu.matmul %dot_general3A_5, %get3A_14, %dot_general3A_15 {dimension_numbers = #tpu.dot_dimension_numbers<[1], [0], [0], [1], [0, 0, 1, 1], [], []>, transpose_lhs_hint = false} : vector<1000x256xf32>, vector<256x4xf32>, vector<1000x4xf32> -> vector<1000x4xf32>
    %get3A_17 = arith.constant 0 : index
    %get3A_18 = arith.constant 0 : index
    %get3A_19 = vector.load %arg4[%get3A_17, %get3A_18] : memref<256x4xf32, #tpu.memory_space<vmem>>, vector<256x4xf32>
    %dot_general3A_20 = arith.constant dense<0.000000e+00> : vector<1000x4xf32>
    %dot_general3A_21 = tpu.matmul %dot_general3A_5, %get3A_19, %dot_general3A_20 {dimension_numbers = #tpu.dot_dimension_numbers<[1], [0], [0], [1], [0, 0, 1, 1], [], []>, transpose_lhs_hint = false} : vector<1000x256xf32>, vector<256x4xf32>, vector<1000x4xf32> -> vector<1000x4xf32>
    %slice3A_22 = vector.extract_strided_slice %dot_general3A_16 {offsets = [0, 0], sizes = [1000, 1], strides = [1, 1]} : vector<1000x4xf32> to vector<1000x1xf32>
    %broadcast_in_dim3A = vector.shape_cast %slice3A_22 : vector<1000x1xf32> to vector<1000x1xf32>
    %broadcast_in_dim3A_23 = vector.broadcast %broadcast_in_dim3A : vector<1000x1xf32> to vector<1000x16xf32>
    %slice3A_24 = vector.extract_strided_slice %dot_general3A_16 {offsets = [0, 1], sizes = [1000, 1], strides = [1, 1]} : vector<1000x4xf32> to vector<1000x1xf32>
    %broadcast_in_dim3A_25 = vector.shape_cast %slice3A_24 : vector<1000x1xf32> to vector<1000x1xf32>
    %broadcast_in_dim3A_26 = vector.broadcast %broadcast_in_dim3A_25 : vector<1000x1xf32> to vector<1000x16xf32>
    %concatenate3A = tpu.concatenate %broadcast_in_dim3A_23, %broadcast_in_dim3A_26 in 1 : vector<1000x16xf32>, vector<1000x16xf32> -> vector<1000x32xf32>
    %swap3A_27 = arith.constant 0 : index
    %swap3A_28 = arith.constant 0 : index
    %swap3A_29 = vector.load %arg7[%swap3A_27, %swap3A_28] : memref<1000x32xf32, #tpu.memory_space<vmem>>, vector<1000x32xf32>
    tpu.vector_store %arg7[%swap3A_27, %swap3A_28], %concatenate3A {strides = array<i32>} : memref<1000x32xf32, #tpu.memory_space<vmem>>, vector<1000x32xf32>,
    %slice3A_30 = vector.extract_strided_slice %dot_general3A_16 {offsets = [0, 2], sizes = [1000, 1], strides = [1, 1]} : vector<1000x4xf32> to vector<1000x1xf32>
    %broadcast_in_dim3A_31 = vector.shape_cast %slice3A_30 : vector<1000x1xf32> to vector<1000x1xf32>
    %broadcast_in_dim3A_32 = vector.broadcast %broadcast_in_dim3A_31 : vector<1000x1xf32> to vector<1000x16xf32>
    %slice3A_33 = vector.extract_strided_slice %dot_general3A_16 {offsets = [0, 3], sizes = [1000, 1], strides = [1, 1]} : vector<1000x4xf32> to vector<1000x1xf32>
    %broadcast_in_dim3A_34 = vector.shape_cast %slice3A_33 : vector<1000x1xf32> to vector<1000x1xf32>
    %broadcast_in_dim3A_35 = vector.broadcast %broadcast_in_dim3A_34 : vector<1000x1xf32> to vector<1000x16xf32>
    %concatenate3A_36 = tpu.concatenate %broadcast_in_dim3A_32, %broadcast_in_dim3A_35 in 1 : vector<1000x16xf32>, vector<1000x16xf32> -> vector<1000x32xf32>
    %swap3A_37 = arith.constant 0 : index
    %swap3A_38 = arith.constant 0 : index
    %swap3A_39 = vector.load %arg8[%swap3A_37, %swap3A_38] : memref<1000x32xf32, #tpu.memory_space<vmem>>, vector<1000x32xf32>
    tpu.vector_store %arg8[%swap3A_37, %swap3A_38], %concatenate3A_36 {strides = array<i32>} : memref<1000x32xf32, #tpu.memory_space<vmem>>, vector<1000x32xf32>,
    %slice3A_40 = vector.extract_strided_slice %dot_general3A_21 {offsets = [0, 0], sizes = [1000, 1], strides = [1, 1]} : vector<1000x4xf32> to vector<1000x1xf32>
    %broadcast_in_dim3A_41 = vector.shape_cast %slice3A_40 : vector<1000x1xf32> to vector<1000x1xf32>
    %broadcast_in_dim3A_42 = vector.broadcast %broadcast_in_dim3A_41 : vector<1000x1xf32> to vector<1000x16xf32>
    %slice3A_43 = vector.extract_strided_slice %dot_general3A_21 {offsets = [0, 1], sizes = [1000, 1], strides = [1, 1]} : vector<1000x4xf32> to vector<1000x1xf32>
    %broadcast_in_dim3A_44 = vector.shape_cast %slice3A_43 : vector<1000x1xf32> to vector<1000x1xf32>
    %broadcast_in_dim3A_45 = vector.broadcast %broadcast_in_dim3A_44 : vector<1000x1xf32> to vector<1000x16xf32>
    %concatenate3A_46 = tpu.concatenate %broadcast_in_dim3A_42, %broadcast_in_dim3A_45 in 1 : vector<1000x16xf32>, vector<1000x16xf32> -> vector<1000x32xf32>
    %swap3A_47 = arith.constant 0 : index
    %swap3A_48 = arith.constant 0 : index
    %swap3A_49 = vector.load %arg9[%swap3A_47, %swap3A_48] : memref<1000x32xf32, #tpu.memory_space<vmem>>, vector<1000x32xf32>
    tpu.vector_store %arg9[%swap3A_47, %swap3A_48], %concatenate3A_46 {strides = array<i32>} : memref<1000x32xf32, #tpu.memory_space<vmem>>, vector<1000x32xf32>,
    %slice3A_50 = vector.extract_strided_slice %dot_general3A_21 {offsets = [0, 2], sizes = [1000, 1], strides = [1, 1]} : vector<1000x4xf32> to vector<1000x1xf32>
    %broadcast_in_dim3A_51 = vector.shape_cast %slice3A_50 : vector<1000x1xf32> to vector<1000x1xf32>
    %broadcast_in_dim3A_52 = vector.broadcast %broadcast_in_dim3A_51 : vector<1000x1xf32> to vector<1000x16xf32>
    %slice3A_53 = vector.extract_strided_slice %dot_general3A_21 {offsets = [0, 3], sizes = [1000, 1], strides = [1, 1]} : vector<1000x4xf32> to vector<1000x1xf32>
    %broadcast_in_dim3A_54 = vector.shape_cast %slice3A_53 : vector<1000x1xf32> to vector<1000x1xf32>
    %broadcast_in_dim3A_55 = vector.broadcast %broadcast_in_dim3A_54 : vector<1000x1xf32> to vector<1000x16xf32>
    %concatenate3A_56 = tpu.concatenate %broadcast_in_dim3A_52, %broadcast_in_dim3A_55 in 1 : vector<1000x16xf32>, vector<1000x16xf32> -> vector<1000x32xf32>
    %swap3A_57 = arith.constant 0 : index
    %swap3A_58 = arith.constant 0 : index
    %swap3A_59 = vector.load %arg10[%swap3A_57, %swap3A_58] : memref<1000x32xf32, #tpu.memory_space<vmem>>, vector<1000x32xf32>
    tpu.vector_store %arg10[%swap3A_57, %swap3A_58], %concatenate3A_56 {strides = array<i32>} : memref<1000x32xf32, #tpu.memory_space<vmem>>, vector<1000x32xf32>,
    return
  }
  func.func @transform_0(%arg0: i32) -> (i32, i32) {
    %c0_i32 = arith.constant 0 : i32
    %c0_i32_0 = arith.constant 0 : i32
    return %arg0, %c0_i32 : i32, i32
  }
  func.func @transform_1(%arg0: i32) -> (i32, i32) {
    %c0_i32 = arith.constant 0 : i32
    %c0_i32_0 = arith.constant 0 : i32
    %c0_i32_1 = arith.constant 0 : i32
    return %c0_i32, %c0_i32_0 : i32, i32
  }
  func.func @transform_2(%arg0: i32) -> (i32, i32) {
    %c0_i32 = arith.constant 0 : i32
    %c0_i32_0 = arith.constant 0 : i32
    %c0_i32_1 = arith.constant 0 : i32
    return %c0_i32, %c0_i32_0 : i32, i32
  }
  func.func @transform_3(%arg0: i32) -> (i32, i32) {
    %c0_i32 = arith.constant 0 : i32
    %c0_i32_0 = arith.constant 0 : i32
    %c0_i32_1 = arith.constant 0 : i32
    return %c0_i32, %c0_i32_0 : i32, i32
  }
  func.func @transform_4(%arg0: i32) -> (i32, i32) {
    %c0_i32 = arith.constant 0 : i32
    %c0_i32_0 = arith.constant 0 : i32
    return %arg0, %c0_i32 : i32, i32
  }
  func.func @transform_5(%arg0: i32) -> (i32, i32) {
    %c0_i32 = arith.constant 0 : i32
    %c0_i32_0 = arith.constant 0 : i32
    return %arg0, %c0_i32 : i32, i32
  }
  func.func @transform_6(%arg0: i32) -> (i32, i32) {
    %c0_i32 = arith.constant 0 : i32
    %c0_i32_0 = arith.constant 0 : i32
    return %arg0, %c0_i32 : i32, i32
  }
  func.func @transform_7(%arg0: i32) -> (i32, i32) {
    %c0_i32 = arith.constant 0 : i32
    %c0_i32_0 = arith.constant 0 : i32
    return %arg0, %c0_i32 : i32, i32
  }
  func.func @transform_8(%arg0: i32) -> (i32, i32) {
    %c0_i32 = arith.constant 0 : i32
    %c0_i32_0 = arith.constant 0 : i32
    return %arg0, %c0_i32 : i32, i32
  }
  func.func @transform_9(%arg0: i32) -> (i32, i32) {
    %c0_i32 = arith.constant 0 : i32
    %c0_i32_0 = arith.constant 0 : i32
    return %arg0, %c0_i32 : i32, i32
  }
}

module attributes {stable_mosaic.version = 14 : i64} {
  func.func @_ea_body(%arg0: i32, %arg1: memref<2000x6xf32, #tpu.memory_space<vmem>>, %arg2: memref<6x64xf32, #tpu.memory_space<vmem>>, %arg3: memref<2000x64xf32, #tpu.memory_space<vmem>>) attributes {dimension_semantics = [#tpu.dimension_semantics<arbitrary>], iteration_bounds = array<i64: 80>, scalar_prefetch = 0 : i64, scratch_operands = 0 : i64, tpu.core_type = #tpu.core_type<tc>, window_params = [{transform_indices = @transform_0, window_bounds = array<i64: 2000, 6>}, {pipeline_mode = #tpu.pipeline_mode<synchronous>, transform_indices = @transform_1, window_bounds = array<i64: 6, 64>}, {transform_indices = @transform_2, window_bounds = array<i64: 2000, 64>}]} {
    %get3A = arith.constant 0 : index
    %get3A_0 = arith.constant 0 : index
    %get3A_1 = vector.load %arg1[%get3A, %get3A_0] : memref<2000x6xf32, #tpu.memory_space<vmem>>, vector<2000x6xf32>
    %get3A_2 = arith.constant 0 : index
    %get3A_3 = arith.constant 0 : index
    %get3A_4 = vector.load %arg2[%get3A_2, %get3A_3] : memref<6x64xf32, #tpu.memory_space<vmem>>, vector<6x64xf32>
    %dot_general3A = arith.constant dense<0.000000e+00> : vector<2000x64xf32>
    %dot_general3A_5 = tpu.matmul %get3A_1, %get3A_4, %dot_general3A {dimension_numbers = #tpu.dot_dimension_numbers<[1], [0], [0], [1], [0, 0, 1, 1], [], []>, transpose_lhs_hint = false} : vector<2000x6xf32>, vector<6x64xf32>, vector<2000x64xf32> -> vector<2000x64xf32>
    %swap3A = arith.constant 0 : index
    %swap3A_6 = arith.constant 0 : index
    %swap3A_7 = vector.load %arg3[%swap3A, %swap3A_6] : memref<2000x64xf32, #tpu.memory_space<vmem>>, vector<2000x64xf32>
    tpu.vector_store %arg3[%swap3A, %swap3A_6], %dot_general3A_5 {strides = array<i32>} : memref<2000x64xf32, #tpu.memory_space<vmem>>, vector<2000x64xf32>,
    return
  }
  func.func @transform_0(%arg0: i32) -> (i32, i32) {
    %c0_i32 = arith.constant 0 : i32
    %c0_i32_0 = arith.constant 0 : i32
    return %arg0, %c0_i32 : i32, i32
  }
  func.func @transform_1(%arg0: i32) -> (i32, i32) {
    %c0_i32 = arith.constant 0 : i32
    %c0_i32_0 = arith.constant 0 : i32
    %c0_i32_1 = arith.constant 0 : i32
    return %c0_i32, %c0_i32_0 : i32, i32
  }
  func.func @transform_2(%arg0: i32) -> (i32, i32) {
    %c0_i32 = arith.constant 0 : i32
    %c0_i32_0 = arith.constant 0 : i32
    return %arg0, %c0_i32 : i32, i32
  }
}

module attributes {stable_mosaic.version = 14 : i64} {
  func.func @_tc2_body(%arg0: i32, %arg1: memref<1000x128xf32, #tpu.memory_space<vmem>>, %arg2: memref<1000x128xf32, #tpu.memory_space<vmem>>, %arg3: memref<1000x16xf32, #tpu.memory_space<vmem>>, %arg4: memref<1000x16xf32, #tpu.memory_space<vmem>>, %arg5: memref<256x64xf32, #tpu.memory_space<vmem>>, %arg6: memref<1x64xf32, #tpu.memory_space<vmem>>, %arg7: memref<64x64xf32, #tpu.memory_space<vmem>>, %arg8: memref<1x64xf32, #tpu.memory_space<vmem>>, %arg9: memref<1000x64xf32, #tpu.memory_space<vmem>>, %arg10: memref<1000x64xf32, #tpu.memory_space<vmem>>) attributes {dimension_semantics = [#tpu.dimension_semantics<arbitrary>], iteration_bounds = array<i64: 10>, scalar_prefetch = 0 : i64, scratch_operands = 0 : i64, tpu.core_type = #tpu.core_type<tc>, window_params = [{transform_indices = @transform_0, window_bounds = array<i64: 1000, 128>}, {transform_indices = @transform_1, window_bounds = array<i64: 1000, 128>}, {transform_indices = @transform_2, window_bounds = array<i64: 1000, 16>}, {transform_indices = @transform_3, window_bounds = array<i64: 1000, 16>}, {pipeline_mode = #tpu.pipeline_mode<synchronous>, transform_indices = @transform_4, window_bounds = array<i64: 256, 64>}, {pipeline_mode = #tpu.pipeline_mode<synchronous>, transform_indices = @transform_5, window_bounds = array<i64: 1, 64>}, {pipeline_mode = #tpu.pipeline_mode<synchronous>, transform_indices = @transform_6, window_bounds = array<i64: 64, 64>}, {pipeline_mode = #tpu.pipeline_mode<synchronous>, transform_indices = @transform_7, window_bounds = array<i64: 1, 64>}, {transform_indices = @transform_8, window_bounds = array<i64: 1000, 64>}, {transform_indices = @transform_9, window_bounds = array<i64: 1000, 64>}]} {
    %get3A = arith.constant 0 : index
    %get3A_0 = arith.constant 0 : index
    %get3A_1 = vector.load %arg1[%get3A, %get3A_0] : memref<1000x128xf32, #tpu.memory_space<vmem>>, vector<1000x128xf32>
    %get3A_2 = arith.constant 0 : index
    %get3A_3 = arith.constant 0 : index
    %get3A_4 = vector.load %arg2[%get3A_2, %get3A_3] : memref<1000x128xf32, #tpu.memory_space<vmem>>, vector<1000x128xf32>
    %get3A_5 = arith.constant 0 : index
    %get3A_6 = arith.constant 0 : index
    %get3A_7 = vector.load %arg3[%get3A_5, %get3A_6] : memref<1000x16xf32, #tpu.memory_space<vmem>>, vector<1000x16xf32>
    %get3A_8 = arith.constant 0 : index
    %get3A_9 = arith.constant 0 : index
    %get3A_10 = vector.load %arg4[%get3A_8, %get3A_9] : memref<1000x16xf32, #tpu.memory_space<vmem>>, vector<1000x16xf32>
    %slice3A = vector.extract_strided_slice %get3A_1 {offsets = [0, 0], sizes = [1000, 64], strides = [1, 1]} : vector<1000x128xf32> to vector<1000x64xf32>
    %slice3A_11 = vector.extract_strided_slice %get3A_7 {offsets = [0, 0], sizes = [1000, 1], strides = [1, 1]} : vector<1000x16xf32> to vector<1000x1xf32>
    %add3A = arith.constant 9.99999971E-10 : f32
    %add3A_12 = vector.broadcast %add3A : f32 to vector<1000x1xf32>
    %add3A_13 = arith.addf %slice3A_11, %add3A_12 : vector<1000x1xf32>
    %div3A = vector.broadcast %add3A_13 : vector<1000x1xf32> to vector<1000x64xf32>
    %div3A_14 = arith.divf %slice3A, %div3A : vector<1000x64xf32>
    %slice3A_15 = vector.extract_strided_slice %get3A_1 {offsets = [0, 64], sizes = [1000, 64], strides = [1, 1]} : vector<1000x128xf32> to vector<1000x64xf32>
    %slice3A_16 = vector.extract_strided_slice %get3A_7 {offsets = [0, 6], sizes = [1000, 1], strides = [1, 1]} : vector<1000x16xf32> to vector<1000x1xf32>
    %add3A_17 = arith.constant 9.99999971E-10 : f32
    %add3A_18 = vector.broadcast %add3A_17 : f32 to vector<1000x1xf32>
    %add3A_19 = arith.addf %slice3A_16, %add3A_18 : vector<1000x1xf32>
    %div3A_20 = vector.broadcast %add3A_19 : vector<1000x1xf32> to vector<1000x64xf32>
    %div3A_21 = arith.divf %slice3A_15, %div3A_20 : vector<1000x64xf32>
    %slice3A_22 = vector.extract_strided_slice %get3A_4 {offsets = [0, 0], sizes = [1000, 64], strides = [1, 1]} : vector<1000x128xf32> to vector<1000x64xf32>
    %slice3A_23 = vector.extract_strided_slice %get3A_10 {offsets = [0, 0], sizes = [1000, 1], strides = [1, 1]} : vector<1000x16xf32> to vector<1000x1xf32>
    %add3A_24 = arith.constant 9.99999971E-10 : f32
    %add3A_25 = vector.broadcast %add3A_24 : f32 to vector<1000x1xf32>
    %add3A_26 = arith.addf %slice3A_23, %add3A_25 : vector<1000x1xf32>
    %div3A_27 = vector.broadcast %add3A_26 : vector<1000x1xf32> to vector<1000x64xf32>
    %div3A_28 = arith.divf %slice3A_22, %div3A_27 : vector<1000x64xf32>
    %slice3A_29 = vector.extract_strided_slice %get3A_4 {offsets = [0, 64], sizes = [1000, 64], strides = [1, 1]} : vector<1000x128xf32> to vector<1000x64xf32>
    %slice3A_30 = vector.extract_strided_slice %get3A_10 {offsets = [0, 6], sizes = [1000, 1], strides = [1, 1]} : vector<1000x16xf32> to vector<1000x1xf32>
    %add3A_31 = arith.constant 9.99999971E-10 : f32
    %add3A_32 = vector.broadcast %add3A_31 : f32 to vector<1000x1xf32>
    %add3A_33 = arith.addf %slice3A_30, %add3A_32 : vector<1000x1xf32>
    %div3A_34 = vector.broadcast %add3A_33 : vector<1000x1xf32> to vector<1000x64xf32>
    %div3A_35 = arith.divf %slice3A_29, %div3A_34 : vector<1000x64xf32>
    %concatenate3A = tpu.concatenate %div3A_14, %div3A_21, %div3A_28, %div3A_35 in 1 : vector<1000x64xf32>, vector<1000x64xf32>, vector<1000x64xf32>, vector<1000x64xf32> -> vector<1000x256xf32>
    %gt3A = arith.constant 0.000000e+00 : f32
    %gt3A_36 = vector.broadcast %gt3A : f32 to vector<1000x256xf32>
    %gt3A_37 = arith.cmpf ogt, %concatenate3A, %gt3A_36 : vector<1000x256xf32>
    %mul3A = arith.constant 0.00999999977 : f32
    %mul3A_38 = vector.broadcast %mul3A : f32 to vector<1000x256xf32>
    %mul3A_39 = arith.mulf %mul3A_38, %concatenate3A : vector<1000x256xf32>
    %select_n3A = arith.select %gt3A_37, %concatenate3A, %mul3A_39 : vector<1000x256xi1>, vector<1000x256xf32>
    %get3A_40 = arith.constant 0 : index
    %get3A_41 = arith.constant 0 : index
    %get3A_42 = vector.load %arg5[%get3A_40, %get3A_41] : memref<256x64xf32, #tpu.memory_space<vmem>>, vector<256x64xf32>
    %dot_general3A = arith.constant dense<0.000000e+00> : vector<1000x64xf32>
    %dot_general3A_43 = tpu.matmul %select_n3A, %get3A_42, %dot_general3A {dimension_numbers = #tpu.dot_dimension_numbers<[1], [0], [0], [1], [0, 0, 1, 1], [], []>, transpose_lhs_hint = false} : vector<1000x256xf32>, vector<256x64xf32>, vector<1000x64xf32> -> vector<1000x64xf32>
    %get3A_44 = arith.constant 0 : index
    %get3A_45 = arith.constant 0 : index
    %get3A_46 = vector.load %arg6[%get3A_44, %get3A_45] : memref<1x64xf32, #tpu.memory_space<vmem>>, vector<1x64xf32>
    %add3A_47 = vector.broadcast %get3A_46 : vector<1x64xf32> to vector<1000x64xf32>
    %add3A_48 = arith.addf %dot_general3A_43, %add3A_47 : vector<1000x64xf32>
    %swap3A = arith.constant 0 : index
    %swap3A_49 = arith.constant 0 : index
    %swap3A_50 = vector.load %arg9[%swap3A, %swap3A_49] : memref<1000x64xf32, #tpu.memory_space<vmem>>, vector<1000x64xf32>
    tpu.vector_store %arg9[%swap3A, %swap3A_49], %add3A_48 {strides = array<i32>} : memref<1000x64xf32, #tpu.memory_space<vmem>>, vector<1000x64xf32>,
    %get3A_51 = arith.constant 0 : index
    %get3A_52 = arith.constant 0 : index
    %get3A_53 = vector.load %arg7[%get3A_51, %get3A_52] : memref<64x64xf32, #tpu.memory_space<vmem>>, vector<64x64xf32>
    %dot_general3A_54 = arith.constant dense<0.000000e+00> : vector<1000x64xf32>
    %dot_general3A_55 = tpu.matmul %add3A_48, %get3A_53, %dot_general3A_54 {dimension_numbers = #tpu.dot_dimension_numbers<[1], [0], [0], [1], [0, 0, 1, 1], [], []>, transpose_lhs_hint = false} : vector<1000x64xf32>, vector<64x64xf32>, vector<1000x64xf32> -> vector<1000x64xf32>
    %get3A_56 = arith.constant 0 : index
    %get3A_57 = arith.constant 0 : index
    %get3A_58 = vector.load %arg8[%get3A_56, %get3A_57] : memref<1x64xf32, #tpu.memory_space<vmem>>, vector<1x64xf32>
    %add3A_59 = vector.broadcast %get3A_58 : vector<1x64xf32> to vector<1000x64xf32>
    %add3A_60 = arith.addf %dot_general3A_55, %add3A_59 : vector<1000x64xf32>
    %swap3A_61 = arith.constant 0 : index
    %swap3A_62 = arith.constant 0 : index
    %swap3A_63 = vector.load %arg10[%swap3A_61, %swap3A_62] : memref<1000x64xf32, #tpu.memory_space<vmem>>, vector<1000x64xf32>
    tpu.vector_store %arg10[%swap3A_61, %swap3A_62], %add3A_60 {strides = array<i32>} : memref<1000x64xf32, #tpu.memory_space<vmem>>, vector<1000x64xf32>,
    return
  }
  func.func @transform_0(%arg0: i32) -> (i32, i32) {
    %c0_i32 = arith.constant 0 : i32
    %c0_i32_0 = arith.constant 0 : i32
    return %arg0, %c0_i32 : i32, i32
  }
  func.func @transform_1(%arg0: i32) -> (i32, i32) {
    %add3A = arith.constant 10 : i32
    %add3A_0 = arith.addi %arg0, %add3A : i32
    %c0_i32 = arith.constant 0 : i32
    %c0_i32_1 = arith.constant 0 : i32
    return %add3A_0, %c0_i32 : i32, i32
  }
  func.func @transform_2(%arg0: i32) -> (i32, i32) {
    %c0_i32 = arith.constant 0 : i32
    %c0_i32_0 = arith.constant 0 : i32
    return %arg0, %c0_i32 : i32, i32
  }
  func.func @transform_3(%arg0: i32) -> (i32, i32) {
    %add3A = arith.constant 10 : i32
    %add3A_0 = arith.addi %arg0, %add3A : i32
    %c0_i32 = arith.constant 0 : i32
    %c0_i32_1 = arith.constant 0 : i32
    return %add3A_0, %c0_i32 : i32, i32
  }
  func.func @transform_4(%arg0: i32) -> (i32, i32) {
    %c0_i32 = arith.constant 0 : i32
    %c0_i32_0 = arith.constant 0 : i32
    %c0_i32_1 = arith.constant 0 : i32
    return %c0_i32, %c0_i32_0 : i32, i32
  }
  func.func @transform_5(%arg0: i32) -> (i32, i32) {
    %c0_i32 = arith.constant 0 : i32
    %c0_i32_0 = arith.constant 0 : i32
    %c0_i32_1 = arith.constant 0 : i32
    return %c0_i32, %c0_i32_0 : i32, i32
  }
  func.func @transform_6(%arg0: i32) -> (i32, i32) {
    %c0_i32 = arith.constant 0 : i32
    %c0_i32_0 = arith.constant 0 : i32
    %c0_i32_1 = arith.constant 0 : i32
    return %c0_i32, %c0_i32_0 : i32, i32
  }
  func.func @transform_7(%arg0: i32) -> (i32, i32) {
    %c0_i32 = arith.constant 0 : i32
    %c0_i32_0 = arith.constant 0 : i32
    %c0_i32_1 = arith.constant 0 : i32
    return %c0_i32, %c0_i32_0 : i32, i32
  }
  func.func @transform_8(%arg0: i32) -> (i32, i32) {
    %c0_i32 = arith.constant 0 : i32
    %c0_i32_0 = arith.constant 0 : i32
    return %arg0, %c0_i32 : i32, i32
  }
  func.func @transform_9(%arg0: i32) -> (i32, i32) {
    %c0_i32 = arith.constant 0 : i32
    %c0_i32_0 = arith.constant 0 : i32
    return %arg0, %c0_i32 : i32, i32
  }
}

module attributes {stable_mosaic.version = 14 : i64} {
  func.func @_tc3_body(%arg0: i32, %arg1: memref<1000x64xf32, #tpu.memory_space<vmem>>, %arg2: memref<1000x16xf32, #tpu.memory_space<vmem>>, %arg3: memref<1000x64xf32, #tpu.memory_space<vmem>>, %arg4: memref<1000x64xf32, #tpu.memory_space<vmem>>, %arg5: memref<64x64xf32, #tpu.memory_space<vmem>>, %arg6: memref<64x64xf32, #tpu.memory_space<vmem>>, %arg7: memref<1x64xf32, #tpu.memory_space<vmem>>, %arg8: memref<1000x64xf32, #tpu.memory_space<vmem>>) attributes {dimension_semantics = [#tpu.dimension_semantics<arbitrary>], iteration_bounds = array<i64: 10>, scalar_prefetch = 0 : i64, scratch_operands = 0 : i64, tpu.core_type = #tpu.core_type<tc>, window_params = [{transform_indices = @transform_0, window_bounds = array<i64: 1000, 64>}, {transform_indices = @transform_1, window_bounds = array<i64: 1000, 16>}, {transform_indices = @transform_2, window_bounds = array<i64: 1000, 64>}, {transform_indices = @transform_3, window_bounds = array<i64: 1000, 64>}, {pipeline_mode = #tpu.pipeline_mode<synchronous>, transform_indices = @transform_4, window_bounds = array<i64: 64, 64>}, {pipeline_mode = #tpu.pipeline_mode<synchronous>, transform_indices = @transform_5, window_bounds = array<i64: 64, 64>}, {pipeline_mode = #tpu.pipeline_mode<synchronous>, transform_indices = @transform_6, window_bounds = array<i64: 1, 64>}, {transform_indices = @transform_7, window_bounds = array<i64: 1000, 64>}]} {
    %get3A = arith.constant 0 : index
    %get3A_0 = arith.constant 0 : index
    %get3A_1 = vector.load %arg2[%get3A, %get3A_0] : memref<1000x16xf32, #tpu.memory_space<vmem>>, vector<1000x16xf32>
    %slice3A = vector.extract_strided_slice %get3A_1 {offsets = [0, 12], sizes = [1000, 1], strides = [1, 1]} : vector<1000x16xf32> to vector<1000x1xf32>
    %max3A = arith.constant 1.000000e+00 : f32
    %max3A_2 = vector.broadcast %max3A : f32 to vector<1000x1xf32>
    %max3A_3 = arith.maximumf %slice3A, %max3A_2 : vector<1000x1xf32>
    %get3A_4 = arith.constant 0 : index
    %get3A_5 = arith.constant 0 : index
    %get3A_6 = vector.load %arg1[%get3A_4, %get3A_5] : memref<1000x64xf32, #tpu.memory_space<vmem>>, vector<1000x64xf32>
    %div3A = arith.divf %slice3A, %max3A_3 : vector<1000x1xf32>
    %mul3A = vector.broadcast %div3A : vector<1000x1xf32> to vector<1000x64xf32>
    %mul3A_7 = arith.mulf %get3A_6, %mul3A : vector<1000x64xf32>
    %get3A_8 = arith.constant 0 : index
    %get3A_9 = arith.constant 0 : index
    %get3A_10 = vector.load %arg3[%get3A_8, %get3A_9] : memref<1000x64xf32, #tpu.memory_space<vmem>>, vector<1000x64xf32>
    %get3A_11 = arith.constant 0 : index
    %get3A_12 = arith.constant 0 : index
    %get3A_13 = vector.load %arg4[%get3A_11, %get3A_12] : memref<1000x64xf32, #tpu.memory_space<vmem>>, vector<1000x64xf32>
    %add3A = arith.addf %get3A_10, %get3A_13 : vector<1000x64xf32>
    %div3A_14 = vector.broadcast %max3A_3 : vector<1000x1xf32> to vector<1000x64xf32>
    %div3A_15 = arith.divf %add3A, %div3A_14 : vector<1000x64xf32>
    %get3A_16 = arith.constant 0 : index
    %get3A_17 = arith.constant 0 : index
    %get3A_18 = vector.load %arg5[%get3A_16, %get3A_17] : memref<64x64xf32, #tpu.memory_space<vmem>>, vector<64x64xf32>
    %dot_general3A = arith.constant dense<0.000000e+00> : vector<1000x64xf32>
    %dot_general3A_19 = tpu.matmul %mul3A_7, %get3A_18, %dot_general3A {dimension_numbers = #tpu.dot_dimension_numbers<[1], [0], [0], [1], [0, 0, 1, 1], [], []>, transpose_lhs_hint = false} : vector<1000x64xf32>, vector<64x64xf32>, vector<1000x64xf32> -> vector<1000x64xf32>
    %get3A_20 = arith.constant 0 : index
    %get3A_21 = arith.constant 0 : index
    %get3A_22 = vector.load %arg6[%get3A_20, %get3A_21] : memref<64x64xf32, #tpu.memory_space<vmem>>, vector<64x64xf32>
    %dot_general3A_23 = arith.constant dense<0.000000e+00> : vector<1000x64xf32>
    %dot_general3A_24 = tpu.matmul %div3A_15, %get3A_22, %dot_general3A_23 {dimension_numbers = #tpu.dot_dimension_numbers<[1], [0], [0], [1], [0, 0, 1, 1], [], []>, transpose_lhs_hint = false} : vector<1000x64xf32>, vector<64x64xf32>, vector<1000x64xf32> -> vector<1000x64xf32>
    %add3A_25 = arith.addf %dot_general3A_19, %dot_general3A_24 : vector<1000x64xf32>
    %get3A_26 = arith.constant 0 : index
    %get3A_27 = arith.constant 0 : index
    %get3A_28 = vector.load %arg7[%get3A_26, %get3A_27] : memref<1x64xf32, #tpu.memory_space<vmem>>, vector<1x64xf32>
    %add3A_29 = vector.broadcast %get3A_28 : vector<1x64xf32> to vector<1000x64xf32>
    %add3A_30 = arith.addf %add3A_25, %add3A_29 : vector<1000x64xf32>
    %tanh3A = math.tanh %add3A_30 : vector<1000x64xf32>
    %swap3A = arith.constant 0 : index
    %swap3A_31 = arith.constant 0 : index
    %swap3A_32 = vector.load %arg8[%swap3A, %swap3A_31] : memref<1000x64xf32, #tpu.memory_space<vmem>>, vector<1000x64xf32>
    tpu.vector_store %arg8[%swap3A, %swap3A_31], %tanh3A {strides = array<i32>} : memref<1000x64xf32, #tpu.memory_space<vmem>>, vector<1000x64xf32>,
    return
  }
  func.func @transform_0(%arg0: i32) -> (i32, i32) {
    %c0_i32 = arith.constant 0 : i32
    %c0_i32_0 = arith.constant 0 : i32
    return %arg0, %c0_i32 : i32, i32
  }
  func.func @transform_1(%arg0: i32) -> (i32, i32) {
    %c0_i32 = arith.constant 0 : i32
    %c0_i32_0 = arith.constant 0 : i32
    return %arg0, %c0_i32 : i32, i32
  }
  func.func @transform_2(%arg0: i32) -> (i32, i32) {
    %c0_i32 = arith.constant 0 : i32
    %c0_i32_0 = arith.constant 0 : i32
    return %arg0, %c0_i32 : i32, i32
  }
  func.func @transform_3(%arg0: i32) -> (i32, i32) {
    %add3A = arith.constant 10 : i32
    %add3A_0 = arith.addi %arg0, %add3A : i32
    %c0_i32 = arith.constant 0 : i32
    %c0_i32_1 = arith.constant 0 : i32
    return %add3A_0, %c0_i32 : i32, i32
  }
  func.func @transform_4(%arg0: i32) -> (i32, i32) {
    %c0_i32 = arith.constant 0 : i32
    %c0_i32_0 = arith.constant 0 : i32
    %c0_i32_1 = arith.constant 0 : i32
    return %c0_i32, %c0_i32_0 : i32, i32
  }
  func.func @transform_5(%arg0: i32) -> (i32, i32) {
    %c0_i32 = arith.constant 0 : i32
    %c0_i32_0 = arith.constant 0 : i32
    %c0_i32_1 = arith.constant 0 : i32
    return %c0_i32, %c0_i32_0 : i32, i32
  }
  func.func @transform_6(%arg0: i32) -> (i32, i32) {
    %c0_i32 = arith.constant 0 : i32
    %c0_i32_0 = arith.constant 0 : i32
    %c0_i32_1 = arith.constant 0 : i32
    return %c0_i32, %c0_i32_0 : i32, i32
  }
  func.func @transform_7(%arg0: i32) -> (i32, i32) {
    %c0_i32 = arith.constant 0 : i32
    %c0_i32_0 = arith.constant 0 : i32
    return %arg0, %c0_i32 : i32, i32
  }
}

</mosaic_0001>

<sc_bundles>
// kernel: kernel.11.cloned.1.call-start
scs
__scs_entry_jumppad:
0x0: {  	(pc) =	sbr.rel $0x88, $3  }
0x1: {  	(tag) =	ssettag $0x0;
	lr =	simm.s32 $0x1  }
0x2: {  	[smem:$0x3F95] =	sst lr;
	_ =	strace $0xD0000000  }
0x3: {  	_ = 	snop  }
0x4: {  	_ = 	snop  }
0x5: {  	_ = 	snop  }
0x6: {  	_ = 	snop  }
0x7: {  	_ = 	snop  }
__scs_overlays_trampoline_lowered:
0x8: {  	[smem:$0x3FA4] =	sst s0  }
0x9: {  	[smem:$0x3FA5] =	sst s1  }
0xa: {  	[smem:$0x3FA6] =	sst s2  }
0xb: {  	[smem:$0x3FA7] =	sst s3  }
0xc: {  	[smem:$0x3FA8] =	sst s4  }
0xd: {  	[smem:$0x3FA9] =	sst s5  }
0xe: {  	[smem:$0x3FAA] =	sst s6  }
0xf: {  	[smem:$0x3FAB] =	sst s7  }
0x10: {  	[smem:$0x3FAC] =	sst s8  }
0x11: {  	[smem:$0x3FAD] =	sst s9;
	s0 =	simm.s32 @!p0 $0x0  }
0x12: {  	s1 =	sld [smem:$0x3F93];
	s0 =	simm.s32 @p0 $0x1  }
0x13: {  	[smem:$0x3FAE] =	sst s0;
	s0 =	simm.s32 @!p1 $0x0  }
0x14: {  	s2 =	sld [smem:$0x3F92];
	s0 =	simm.s32 @p1 $0x1  }
0x15: {  	[smem:$0x3FAF] =	sst s0;
	s0 =	simm.s32 @!p2 $0x0  }
0x16: {  	s3 =	sld [smem:$0x3FDB];
	s0 =	simm.s32 @p2 $0x1  }
0x17: {  	s4 =	simm.s32 $0x1BF5;
	[smem:$0x3FB1] =	sst s0  }
0x18: {  	s0 =	sld [smem:$0x3F94];
	_ =	swait.ge [sflag:s4], $0x0  }
0x19: {  	s7 =	sld [smem:$0x3F95]  }
0x1a: {  	s8 =	sadd.s32 $0xFFFFE003, lr  }
0x1b: {  	s9 =	sadd.s32 $0xFFFFFEF7, lr;
	s5 =	simm.s32 $0xFFFFFFFF;
	p2 =	slt.u32 s8, $0xFFFFF086  }
0x1c: {  	p1 =	slt.u32 s9, $0xF7A;
	s5 =	simm.s32 @!p2 $0x0  }
0x1d: {  	s5 =	simm.s32 @p1 $0x1;
	p0 =	seq.s32 s7, s2  }
0x1e: {  	s7 =	smul.u32 @!p0 $0xF7A, s2;
	p2 =	seq.s32 @!p0 s5, $0x0  }
0x1f: {  	s9 =	smul.u32 $0xF7A, s1;
	s8 =	simm.s32 @!p0 $0x1BF5;
	p2 =	por !p2, p0  }
0x20: {  	[sflag:s8] =	ssyncset.s32 @!p0 $0xFFFFF086;
	s6 =	sadd.s32 @!p0 s3, s7;
	s7 =	simm.s32 @!p0 $0x108  }
0x21: {  	s3 =	sadd.s32 s3, s9;
	s6 =	sadd.s32 @!p0 $0x88, s6;
	s7 =	simm.s32 @p2 $0x1082  }
0x22: {  	[simem:s7], [sflag:s8] =	dma.local @!p0 [hbm:s6], $0xF7A  }
0x23: {  	s9 =	sor.u32 $0xD0000000, s2;
	s6 =	simm.s32 $0x108;
	_ =	swait.ge @!p0 [sflag:s8], $0x0  }
0x24: {  	s3 =	sadd.s32 $0x88, s3;
	s6 =	simm.s32 @!p1 $0x1082;
	[sflag:s4] =	ssyncset.s32 $0xFFFFF086  }
0x25: {  	[simem:s6], [sflag:s4] =	dma.local [hbm:s3], $0xF7A  }
0x26: {  	[smem:$0x3F95] =	sst s1;
	(tag) =	ssettag s2;
	_ =	strace s9  }
0x27: {  	s1 =	sld [smem:$0x3FA5]  }
0x28: {  	s2 =	sld [smem:$0x3FA6]  }
0x29: {  	s4 =	sld [smem:$0x3FA8]  }
0x2a: {  	p0 =	seq.s32 s5, $0x0;
	s5 =	sld [smem:$0x3FA9]  }
0x2b: {  	s6 =	sld [smem:$0x3FAA]  }
0x2c: {  	s7 =	sld [smem:$0x3FAB]  }
0x2d: {  	s3 =	simm.s32 $0x108;
	s8 =	sld [smem:$0x3FAC]  }
0x2e: {  	s3 =	simm.s32 @!p0 $0x1082;
	s9 =	sld [smem:$0x3FAD]  }
0x2f: {  	lr =	sadd.s32 s0, s3;
	s0 =	sld [smem:$0x3FA4]  }
0x30: {  	s3 =	sld [smem:$0x3FA7]  }
0x31: {  	[smem:$0x3FB0] =	sst s10  }
0x32: {  	s10 =	sld [smem:$0x3FAE];
	_ =	sdelay $0x3  }
0x33: {  	p0 =	seq.s32 s10, $0x1;
	s10 =	sld [smem:$0x3FB0];
	_ =	sdelay $0x3  }
0x34: {  	[smem:$0x3FB0] =	sst s10  }
0x35: {  	s10 =	sld [smem:$0x3FAF];
	_ =	sdelay $0x3  }
0x36: {  	p1 =	seq.s32 s10, $0x1;
	s10 =	sld [smem:$0x3FB0];
	_ =	sdelay $0x3  }
0x37: {  	[smem:$0x3FB0] =	sst s10  }
0x38: {  	s10 =	sld [smem:$0x3FB1]  }
0x39: {  	_ = 	snop;
	(pc) =	sbr.ind lr, $3  }
0x3a: {  	_ = 	snop  }
0x3b: {  	_ = 	snop  }
0x3c: {  	p2 =	seq.s32 s10, $0x1;
	s10 =	sld [smem:$0x3FB0]  }
0x3d: {  	_ =	shalt  }
0x3e: {  	_ =	shalt  }
0x3f: {  	_ =	shalt  }
0x40: {  	_ =	shalt  }
0x41: {  	_ =	shalt  }
0x42: {  	_ =	shalt  }
0x43: {  	_ =	shalt  }
0x44: {  	_ =	shalt  }
0x45: {  	_ =	shalt  }
0x46: {  	_ =	shalt  }
0x47: {  	_ =	shalt  }
0x48: {  	_ =	shalt  }
0x49: {  	_ =	shalt  }
0x4a: {  	_ =	shalt  }
0x4b: {  	_ =	shalt  }
0x4c: {  	_ =	shalt  }
0x4d: {  	_ =	shalt  }
0x4e: {  	_ =	shalt  }
0x4f: {  	_ =	shalt  }
0x50: {  	_ =	shalt  }
0x51: {  	_ =	shalt  }
0x52: {  	_ =	shalt  }
0x53: {  	_ =	shalt  }
0x54: {  	_ =	shalt  }
0x55: {  	_ =	shalt  }
0x56: {  	_ =	shalt  }
0x57: {  	_ =	shalt  }
0x58: {  	_ =	shalt  }
0x59: {  	_ =	shalt  }
0x5a: {  	_ =	shalt  }
0x5b: {  	_ =	shalt  }
0x5c: {  	_ =	shalt  }
0x5d: {  	_ =	shalt  }
0x5e: {  	_ =	shalt  }
0x5f: {  	_ =	shalt  }
0x60: {  	_ =	shalt  }
0x61: {  	_ =	shalt  }
0x62: {  	_ =	shalt  }
0x63: {  	_ =	shalt  }
0x64: {  	_ =	shalt  }
0x65: {  	_ =	shalt  }
0x66: {  	_ =	shalt  }
0x67: {  	_ =	shalt  }
0x68: {  	_ =	shalt  }
0x69: {  	_ =	shalt  }
0x6a: {  	_ =	shalt  }
0x6b: {  	_ =	shalt  }
0x6c: {  	_ =	shalt  }
0x6d: {  	_ =	shalt  }
0x6e: {  	_ =	shalt  }
0x6f: {  	_ =	shalt  }
0x70: {  	_ =	shalt  }
0x71: {  	_ =	shalt  }
0x72: {  	_ =	shalt  }
0x73: {  	_ =	shalt  }
0x74: {  	_ =	shalt  }
0x75: {  	_ =	shalt  }
0x76: {  	_ =	shalt  }
0x77: {  	_ =	shalt  }
0x78: {  	_ =	shalt  }
0x79: {  	_ =	shalt  }
0x7a: {  	_ =	shalt  }
0x7b: {  	_ =	shalt  }
0x7c: {  	_ =	shalt  }
0x7d: {  	_ =	shalt  }
0x7e: {  	_ =	shalt  }
0x7f: {  	_ =	shalt  }
0x80: {  	_ =	shalt  }
0x81: {  	_ =	shalt  }
0x82: {  	_ =	shalt  }
0x83: {  	_ =	shalt  }
0x84: {  	_ =	shalt  }
0x85: {  	_ =	shalt  }
0x86: {  	_ =	shalt  }
0x87: {  	_ =	shalt  }
.Lfunc_end0:
.L_simem_size_0:
called_computation.1_lowered:
.L_overlay_start_0:
0x88: {  	s2 =	sld [smem:$0x3FD9]  }
0x89: {  	s3 =	sld [smem:$0x3FFE];
	_ =	sdelay $0x1  }
0x8a: {  	s1 =	srdreg.scid  }
0x8b: {  	s0 =	sand.u32 $0x1, s1  }
0x8c: {  	s17 =	sshll.u32 s0, $0xA;
	s2 =	sadd.s32 s3, s2  }
0x8d: {  	s2 =	sadd.s32 s2, s17  }
0x8e: {  	[smem:$0x3FBC] =	sst s2  }
0x8f: {  	_ = 	snop  }
0x90: {  	s2 =	sld [smem:$0x3FD0];
	(tm) =	ssettm $0x1  }
0x91: {  	s18 =	sld [smem:$0x3FFB];
	_ =	sdelay $0x3  }
0x92: {  	_ =	strace s18  }
0x93: {  	s3 =	sld [smem:$0x3FFC];
	_ =	sdelay $0x3  }
0x94: {  	_ =	strace s3  }
0x95: {  	s3 =	sld [smem:$0x3FFD];
	_ =	sdelay $0x3  }
0x96: {  	_ =	strace s3  }
0x97: {  	_ =	strace $0x8FFFFFFF  }
0x98: {  	s19 =	sld [smem:$0x3FDB];
	_ =	sdelay $0x1  }
0x99: {  	s4 =	simm.s32 $_scs_section_size  }
0x9a: {  	s5 =	simm.s32 $_size__tile_overlayer_lowered;
	s6 =	simm.s32 $_tile_overlayer_lowered  }
0x9b: {  	s22 =	simm.s32 $0x1BFF;
	s21 =	sshll.u32 s6, $0x1;
	s3 =	sadd.s32 s4, s19  }
0x9c: {  	s7 =	simm.s32 $0x0;
	s20 =	sshll.u32 s5, $0x1;
	s5 =	sadd.s32 s21, s3  }
0x9d: {  	[timem:s7], [sflag:s22] =	dma.local [hbm:s5], s20  }
0x9e: {  	_ =	swait.ge [sflag:s22], s20  }
0x9f: {  	s4 =	ssub.s32 $0x0, s20;
	[sflag:s22] =	ssyncset.done $0x0  }
0xa0: {  	[sflag:s22] =	ssyncadd.s32 s4;
	_ =	sdelay $0x1  }
0xa1: {  	s23 =	simm.s32 $0x1B8B  }
0xa2: {  	_ =	swait.ge [sflag:s23], $0x1  }
0xa3: {  	[sflag:s23] =	ssyncset.done $0x0  }
0xa4: {  	s25 =	simm.s32 $0x1B8E;
	s24 =	sld [smem:$0x3FFE];
	[sflag:s23] =	ssyncadd.s32 $0xFFFFFFFF  }
0xa5: {  	s26 =	simm.s32 $execute0_lowered;
	[smem:$0x3FD2] =	sst s25  }
0xa6: {  	s5 =	sshll.u32 s26, $0x1;
	_ =	strace $0x80000049;
	[dreg:$0x1] =	wrdreg $0xFFFFFFFF  }
0xa7: {  	s28 =	simm.s32 $_size_execute0_lowered;
	s3 =	sadd.s32 s3, s5;
	[dreg:$0x0] =	wrdreg $0x0  }
0xa8: {  	s5 =	sshll.u32 s28, $0x1;
	[dreg:$0x2] =	wrdreg s3  }
0xa9: {  	[dreg:$0x3] =	wrdreg s5  }
0xaa: {  	[dreg:$0x4] =	wrdreg $0xC0  }
0xab: {  	_ =	task [dreg:s7], $0x5FFFF  }
0xac: {  	[dreg:$0x1] =	wrdreg $0xFFFFFFFF  }
0xad: {  	[dreg:$0x0] =	wrdreg $0x60  }
0xae: {  	[dreg:$0x2] =	wrdreg s2  }
0xaf: {  	[dreg:$0x3] =	wrdreg s24  }
0xb0: {  	[dreg:$0x4] =	wrdreg $0x41000  }
0xb1: {  	[dreg:$0x5] =	wrdreg $0x9  }
0xb2: {  	_ =	task.clear_ibuf [dreg:s7], $0x6FFFF;
	_ =	strace $0x90000049  }
0xb3: {  	s29 =	simm.s32 $0x9;
	_ =	strace $0x8000004B  }
0xb4: {  	_ =	swait.ge [sflag:s29], $0x1  }
0xb5: {  	[sflag:s29] =	ssyncadd.s32 $0xFFFFFFFF  }
0xb6: {  	_ =	strace $0x9000004B  }
0xb7: {  	_ =	sfence  }
0xb8: {  	s30 =	sld [smem:$0x0];
	_ =	sdelay $0x2  }
0xb9: {  	s31 =	sshll.u32 s1, $0xD;
	s1 =	sshrl.u32 s1, $0x2  }
0xba: {  	s3 =	sand.u32 $0x4000, s31;
	s1 =	sadd.s32 s1, s30  }
0xbb: {  	s0 =	sor.u32 s3, s0;
	s1 =	sshll.u32 s1, $0x11  }
0xbc: {  	s0 =	sor.u32 s1, s0  }
0xbd: {  	s0 =	sadd.s32 $0x8F2B, s0  }
0xbe: {  	[sflag:s0] =	ssyncadd.remote.s32 $0x1  }
0xbf: {  	_ =	sfence.sel $0xFFFF  }
0xc0: {  	[dreg:$0x0] =	wrdreg $0xFFFFFFFF;
	(pc) =	sbr.abs _section_cstart, $3  }
0xc1: {  	[dreg:$0x1] =	wrdreg $0xFFFFFFFF  }
0xc2: {  	_ =	task.clear_ibuf [dreg:s7], $0x2FFFF;
	_ =	strace $0x9FFFFFFF  }
0xc3: {  	(tm) =	ssettm $0x7FFFFFFF  }
tec
execute0_lowered:
.L_overlay_start_1:
0x0: {  	(tag) =	ssettag $0x1  }
0x1: {  	s1 =	rddreg [dreg:$0x0]  }
0x2: {  	s9 =	rddreg [dreg:$0x1]  }
0x3: {  	s3 =	rddreg [dreg:$0x2]  }
0x4: {  	s0 =	rddreg [dreg:$0x3]  }
0x5: {  	s4 =	simm.s32 $0x0;
	s2 =	stileid.u32;
	s6 =	srdreg.scid  }
0x6: {  	s21 =	simm.s32 $0x1;
	s22 =	simm.s32 $0x2100;
	s29 =	simm.s32 $0x0  }
0x7: {  	[smem:$0x7FF] =	sst s4;
	s8 =	smul.u32 $0x9E00, s2;
	s5 =	sadd.s32 $0xF4400, s9  }
0x8: {  	s10 =	sand.u32 $0x1, s6;
	s6 =	sadd.s32 $0x1D000, s9;
	s7 =	sadd.s32 $0x18000, s9  }
0x9: {  	s14 =	sadd.s32 $0x70200, s9;
	s25 =	smul.u32 $0x13C0, s2;
	s16 =	sadd.s32 $0x94200, s3  }
0xa: {  	s18 =	smul.u32 $0x27800, s2;
	s26 =	ssub.s32 $0x270, s2;
	s19 =	sshll.u32 s2, $0x7  }
0xb: {  	p0 =	seq.s32 s2, $0xF;
	_ =	strace $0x8000004A;
	s24 =	smul.u32 $0x13880, s10  }
0xc: {  	s12 =	ssub.s32 $0x2, s10;
	s20 =	smul.u32 $0x9C400, s10;
	s10 =	sshrl.u32 s26, $0x4  }
0xd: {  	s11 =	sshrl.u32 s8, $0x3;
	s13 =	sshrl.u32 s12, $0x1;
	s17 =	sadd.s32 s8, s3  }
0xe: {  	s28 =	sshrl.u32 s18, $0x2;
	s18 =	sshll.u32 @!p0 s2, $0x6;
	s11 =	sadd.s32 s11, s9  }
0xf: {  	s15 =	ssub.s32 s12, s13;
	s9 =	sadd.s32 $0x16E40, s9;
	s12 =	sadd.s32 s25, s24  }
0x10: {  	s30 =	sshrl.u32 s20, $0x3;
	s23 =	sadd.s32 s28, s3;
	s17 =	sshrl.u32 @!p0 s17, $0x3  }
0x11: {  	s20 =	simm.s32 $0x100;
	s8 =	sadd.s32 $0x4600, s11;
	s11 =	sadd.s32 s19, s24  }
0x12: {  	s12 =	sadd.s32 s14, s12;
	s31 =	sadd.s32 s14, s30;
	s14 =	smax.u32 s15, $0x1  }
0x13: {  	s15 =	sshrl.u32 @p0 s16, $0x3;
	s16 =	sor.u32 @!p0 $0x1C02, s18;
	s18 =	simm.s32 $0x2  }
0x14: {  	s19 =	simm.s32 $0x80;
	s23 =	sshrl.u32 @!p0 s23, $0x3;
	s13 =	sadd.s32 $0x12840, s31  }
.LBB2_1:
0x15: {  	s24 =	simm.s32 @p0 $0x1FC2  }
0x16: {  	[spmem:s15], [sflag:s24] =	dma.local @p0 [hbm:s9], $0x1040  }
0x17: {  	s24 =	simm.s32 @p0 $0x2  }
0x18: {  	_ =	swait.ge @p0 [sflag:s24], $0x1040  }
0x19: {  	[sflag:s24] =	ssyncset.done @p0 $0x0  }
0x1a: {  	[sflag:s24] =	ssyncadd.s32 @p0 $0xFFFFEFC0;
	s24 =	simm.s32 @!p0 $0x2  }
0x1b: {  	[spmem:s17], [sflag:s16] =	dma.local @!p0 [hbm:s8], $0x13C0  }
0x1c: {  	_ =	swait.ge @!p0 [sflag:s24], $0x13C0  }
0x1d: {  	[sflag:s24] =	ssyncset.done @!p0 $0x0  }
0x1e: {  	[sflag:s24] =	ssyncadd.s32 @!p0 $0xFFFFEC40  }
0x1f: {  	s24 =	simm.s32 $0x0;
	[bflag:$0x0] =	sbarrier.arrive $0xFFFF  }
.LBB2_2:
0x20: {  	s25 =	sshll.u32 s24, $0xB  }
0x21: {  	s25 =	sadd.s32 s25, s11  }
0x22: {  	s26 =	sshrl.u32 s25, $0x3  }
0x23: {  	s28 =	sadd.s32 s6, s26  }
0x24: {  	[tilespmem:s29], [sflag:$0x2] =	stream.linear.gather [hbm4b:s28+s29], $0x80, $0x38;
	[tilespmem:$0xDD40] =	vst v63  }
0x25: {  	_ =	swait.ge [sflag:s18], $0x80  }
0x26: {  	[sflag:s18] =	ssyncset.done $0x0  }
0x27: {  	s26 =	sadd.s32 s7, s26;
	[sflag:s18] =	ssyncadd.s32 $0xFFFFFF80  }
0x28: {  	[tilespmem:s19], [sflag:$0x2] =	stream.linear.gather [hbm4b:s26+s29], $0x80, $0x38;
	[tilespmem:$0xDD40] =	vst v63  }
0x29: {  	_ =	swait.ge [sflag:s18], $0x80  }
0x2a: {  	[sflag:s18] =	ssyncset.done $0x0  }
0x2b: {  	[sflag:s18] =	ssyncadd.s32 $0xFFFFFF80  }
0x2c: {  	[tilespmem:s20], [sflag:$0x1] =	stream.indirect.gather [hbm4b:s1+s19], $0x40, s29, s19, $0xb8;
	[tilespmem:$0xDD40] =	vst v63  }
0x2d: {  	_ =	swait.ge [sflag:s21], $0x2000  }
0x2e: {  	s25 =	sshll.u32 s25, $0x3;
	[sflag:s21] =	ssyncset.done $0x0  }
0x2f: {  	s25 =	sadd.s32 s5, s25;
	[sflag:s21] =	ssyncadd.s32 $0xFFFFE000  }
0x30: {  	[tilespmem:s22], [sflag:$0x2] =	stream.linear.gather [hbm4b:s25+s29], $0x2000, $0x38;
	[tilespmem:$0xDD40] =	vst v63  }
0x31: {  	_ =	swait.ge [sflag:s18], $0x2000  }
0x32: {  	[sflag:s18] =	ssyncset.done $0x0  }
0x33: {  	s25 =	simm.s32 $0x0;
	[sflag:s18] =	ssyncadd.s32 $0xFFFFE000  }
0x34: {  	v0 =	vld [tilespmem:s25+$0x2100]  }
0x35: {  	v1 =	vld [tilespmem:s25+$0x2110]  }
0x36: {  	v2 =	vld [tilespmem:s25+$0x2120]  }
0x37: {  	v3 =	vld [tilespmem:s25+$0x2130]  }
0x38: {  	v4 =	vld [tilespmem:s25+$0x100]  }
0x39: {  	v6 =	vld [tilespmem:s25+$0x110]  }
0x3a: {  	s26 =	simm.s32 $0x100;
	v5 =	vld [tilespmem:s25+$0x120]  }
.LBB2_3:
0x3b: {  	p1 =	sne.s32 s26, $0x7F00;
	v7 =	vld [tilespmem:s25+$0x130];
	_ =	sdelay $0x1  }
0x3c: {  	v0 =	vadd.f32 v0, v4  }
0x3d: {  	v1 =	vadd.f32 v1, v6  }
0x3e: {  	v0 =	vadd.f32 v0, v0;
	v2 =	vadd.f32 v2, v5  }
0x3f: {  	v1 =	vadd.f32 v1, v1;
	v3 =	vadd.f32 v3, v7  }
0x40: {  	v0 =	vmul.f32 $1.442695020e+00, v0;
	v2 =	vadd.f32 v2, v2  }
0x41: {  	v1 =	vmul.f32 $1.442695020e+00, v1;
	v3 =	vadd.f32 v3, v3  }
0x42: {  	v2 =	vmul.f32 $1.442695020e+00, v2;
	(erf) = vpow2.f32 v0  }
0x43: {  	v0 =	vmul.f32 $1.442695020e+00, v3;
	(erf) = vpow2.f32 v1  }
0x44: {  	(erf) = vpow2.f32 v2  }
0x45: {  	(erf) = vpow2.f32 v0;
	_ =	sdelay $0x5  }
0x46: {  	v0 =	vpop (erf)  }
0x47: {  	v3 =	vadd.f32 $1.000000000e+00, v0;
	v1 =	vpop (erf)  }
0x48: {  	v1 =	vadd.f32 $1.000000000e+00, v1;
	v2 =	vpop (erf)  }
0x49: {  	v2 =	vadd.f32 $1.000000000e+00, v2;
	(erf) = vrcp.f32 v3;
	v0 =	vpop (erf)  }
0x4a: {  	v0 =	vadd.f32 $1.000000000e+00, v0;
	(erf) = vrcp.f32 v1  }
0x4b: {  	(erf) = vrcp.f32 v2  }
0x4c: {  	(erf) = vrcp.f32 v0;
	_ =	sdelay $0x5  }
0x4d: {  	v0 =	vpop (erf)  }
0x4e: {  	s28 =	sshra.s32 s26, $0x2;
	v2 =	vadd.f32 v0, v0;
	v1 =	vpop (erf)  }
0x4f: {  	v0 =	vld [tilespmem:s28+$0x2100];
	v3 =	vadd.f32 v1, v1;
	v4 =	vpop (erf)  }
0x50: {  	v1 =	vld [tilespmem:s28+$0x2110];
	v5 =	vsub.f32 $1.000000000e+00, v2;
	v4 =	vadd.f32 v4, v4;
	v6 =	vpop (erf)  }
.Ltmp0:
0x51: {  	v2 =	vld [tilespmem:s28+$0x2120];
	v7 =	vsub.f32 $1.000000000e+00, v3;
	v6 =	vadd.f32 v6, v6;
	(pc) =	sbr.rel @p1 .LBB2_3-.Ltmp0, $4  }
0x52: {  	v3 =	vld [tilespmem:s28+$0x2130];
	[tilespmem:s25+$0x100] =	vst v5;
	v5 =	vsub.f32 $1.000000000e+00, v4  }
0x53: {  	v4 =	vld [tilespmem:s28+$0x100];
	[tilespmem:s25+$0x110] =	vst v7;
	v7 =	vsub.f32 $1.000000000e+00, v6  }
0x54: {  	v6 =	vld [tilespmem:s28+$0x110];
	[tilespmem:s25+$0x120] =	vst v5  }
0x55: {  	s26 =	sadd.s32 $0x100, s26;
	v5 =	vld [tilespmem:s28+$0x120];
	[tilespmem:s25+$0x130] =	vst v7;
	s25 =	smov.u32 s28  }
0x56: {  	v7 =	vld [tilespmem:s25+$0x130];
	_ =	sdelay $0x1  }
0x57: {  	v0 =	vadd.f32 v0, v4  }
0x58: {  	v1 =	vadd.f32 v1, v6  }
0x59: {  	v0 =	vadd.f32 v0, v0;
	v2 =	vadd.f32 v2, v5  }
0x5a: {  	v1 =	vadd.f32 v1, v1;
	v3 =	vadd.f32 v3, v7  }
0x5b: {  	v0 =	vmul.f32 $1.442695020e+00, v0;
	v2 =	vadd.f32 v2, v2  }
0x5c: {  	v1 =	vmul.f32 $1.442695020e+00, v1;
	v3 =	vadd.f32 v3, v3  }
0x5d: {  	v2 =	vmul.f32 $1.442695020e+00, v2;
	(erf) = vpow2.f32 v0  }
0x5e: {  	v57 =	vmul.f32 $1.442695020e+00, v3;
	(erf) = vpow2.f32 v1  }
0x5f: {  	(erf) = vpow2.f32 v2  }
0x60: {  	(erf) = vpow2.f32 v57;
	_ =	sdelay $0x5  }
0x61: {  	v58 =	vpop (erf)  }
0x62: {  	v0 =	vadd.f32 $1.000000000e+00, v58;
	v1 =	vpop (erf)  }
0x63: {  	v1 =	vadd.f32 $1.000000000e+00, v1;
	v2 =	vpop (erf)  }
0x64: {  	v2 =	vadd.f32 $1.000000000e+00, v2;
	(erf) = vrcp.f32 v0;
	v59 =	vpop (erf)  }
0x65: {  	v0 =	vadd.f32 $1.000000000e+00, v59;
	(erf) = vrcp.f32 v1  }
0x66: {  	(erf) = vrcp.f32 v2  }
0x67: {  	(erf) = vrcp.f32 v0;
	_ =	sdelay $0x5  }
0x68: {  	v60 =	vpop (erf)  }
0x69: {  	v0 =	vadd.f32 v60, v60;
	v1 =	vpop (erf)  }
0x6a: {  	v1 =	vadd.f32 v1, v1;
	v2 =	vpop (erf)  }
0x6b: {  	v0 =	vsub.f32 $1.000000000e+00, v0;
	v2 =	vadd.f32 v2, v2;
	v61 =	vpop (erf)  }
0x6c: {  	v1 =	vsub.f32 $1.000000000e+00, v1;
	v3 =	vadd.f32 v61, v61  }
0x6d: {  	[tilespmem:s25+$0x100] =	vst v0;
	v62 =	vsub.f32 $1.000000000e+00, v2  }
0x6e: {  	[tilespmem:s25+$0x110] =	vst v1;
	v63 =	vsub.f32 $1.000000000e+00, v3  }
0x6f: {  	p1 =	sne.s32 s24, s10;
	[tilespmem:s25+$0x120] =	vst v62  }
.Ltmp1:
0x70: {  	[tilespmem:s25+$0x130] =	vst v63;
	(pc) =	sbr.rel @p1 .LBB2_2-.Ltmp1, $4  }
0x71: {  	[spmem:s3] =	stream.indirect.scatter.add.f32 [tilespmem:s20], [sflag:$0x2], $0x40, s19, s19, $0xb8;
	[tilespmem:$0xDD40] =	vst v63  }
0x72: {  	_ =	swait.ge [sflag:s18], $0x2000  }
0x73: {  	s31 =	sadd.s32 $0x1, s24;
	[sflag:s18] =	ssyncset.done $0x0  }
0x74: {  	s24 =	smov.u32 s31;
	[sflag:s18] =	ssyncadd.s32 $0xFFFFE000  }
0x75: {  	[bflag:$0x0] =	sbarrier.arrive $0xFFFF;
	s24 =	simm.s32 @p0 $0x1FC2  }
0x76: {  	[hbm:s13], [sflag:s24] =	dma.local @p0 [spmem:s15], $0x1040  }
0x77: {  	s24 =	simm.s32 @p0 $0x2  }
0x78: {  	s4 =	sadd.s32 $0x1, s4;
	_ =	swait.ge @p0 [sflag:s24], $0x1040  }
0x79: {  	p1 =	sne.s32 s4, s14;
	[sflag:s24] =	ssyncset.done @p0 $0x0  }
.Ltmp2:
0x7a: {  	[sflag:s24] =	ssyncadd.s32 @p0 $0xFFFFEFC0;
	s24 =	simm.s32 @!p0 $0x2;
	(pc) =	sbr.rel @p1 .LBB2_1-.Ltmp2, $4  }
0x7b: {  	[hbm:s12], [sflag:s16] =	dma.local @!p0 [spmem:s23], $0x13C0  }
0x7c: {  	_ =	swait.ge @!p0 [sflag:s24], $0x13C0  }
0x7d: {  	[sflag:s24] =	ssyncset.done @!p0 $0x0  }
0x7e: {  	[sflag:s24] =	ssyncadd.s32 @!p0 $0xFFFFEC40  }
0x7f: {  	_ =	sfence.sel $0x180000  }
0x80: {  	[bflag:$0x0] =	sbarrier.arrive $0xFFFF  }
0x81: {  	p0 =	sne.s32 s2, $0x0;
	_ =	strace $0x9000004A  }
0x82: {  	s0 =	sadd.s32 @!p0 $0x100000, s0;
	[bflag:$0x2] =	sbarrier.arrive $0xFFFF  }
0x83: {  	[sflag:s0] =	ssyncadd.tile.s32 @!p0 $0x1;
	_ =	shalt  }
.Lfunc_end2:
_tile_overlayer_lowered:
.L_overlay_start_2:
0x84: {  	(tag) =	ssettag $0x2  }
0x85: {  	s0 =	rddreg [dreg:$0x0];
	s2 =	stileid.u32  }
0x86: {  	s1 =	rddreg [dreg:$0x1];
	p0 =	sne.s32 s2, $0x0  }
0x87: {  	s3 =	rddreg [dreg:$0x2];
	[bflag:$0x3] =	sbarrier.arrive $0xFFFF;
	s2 =	simm.s32 @!p0 $0x1C02  }
0x88: {  	[timem:s3], [sflag:s2] =	dma.local @!p0 [hbm:s0], s1  }
0x89: {  	s0 =	simm.s32 @!p0 $0x2  }
0x8a: {  	_ =	swait.ge @!p0 [sflag:s0], s1  }
0x8b: {  	s1 =	ssub.s32 @!p0 $0x0, s1;
	[sflag:s0] =	ssyncset.done @!p0 $0x0  }
0x8c: {  	[sflag:s0] =	ssyncadd.s32 @!p0 s1  }
0x8d: {  	[bflag:$0x3] =	sbarrier.arrive $0xFFFF  }
0x8e: {  	_ =	shalt  }

// kernel: kernel.8.cloned.1.call-start
scs
__scs_entry_jumppad:
0x0: {  	(pc) =	sbr.rel $0x88, $3  }
0x1: {  	(tag) =	ssettag $0x0;
	lr =	simm.s32 $0x1  }
0x2: {  	[smem:$0x3F95] =	sst lr;
	_ =	strace $0xD0000000  }
0x3: {  	_ = 	snop  }
0x4: {  	_ = 	snop  }
0x5: {  	_ = 	snop  }
0x6: {  	_ = 	snop  }
0x7: {  	_ = 	snop  }
__scs_overlays_trampoline_lowered:
0x8: {  	[smem:$0x3FA4] =	sst s0  }
0x9: {  	[smem:$0x3FA5] =	sst s1  }
0xa: {  	[smem:$0x3FA6] =	sst s2  }
0xb: {  	[smem:$0x3FA7] =	sst s3  }
0xc: {  	[smem:$0x3FA8] =	sst s4  }
0xd: {  	[smem:$0x3FA9] =	sst s5  }
0xe: {  	[smem:$0x3FAA] =	sst s6  }
0xf: {  	[smem:$0x3FAB] =	sst s7  }
0x10: {  	[smem:$0x3FAC] =	sst s8  }
0x11: {  	[smem:$0x3FAD] =	sst s9;
	s0 =	simm.s32 @!p0 $0x0  }
0x12: {  	s1 =	sld [smem:$0x3F93];
	s0 =	simm.s32 @p0 $0x1  }
0x13: {  	[smem:$0x3FAE] =	sst s0;
	s0 =	simm.s32 @!p1 $0x0  }
0x14: {  	s2 =	sld [smem:$0x3F92];
	s0 =	simm.s32 @p1 $0x1  }
0x15: {  	[smem:$0x3FAF] =	sst s0;
	s0 =	simm.s32 @!p2 $0x0  }
0x16: {  	s3 =	sld [smem:$0x3FDB];
	s0 =	simm.s32 @p2 $0x1  }
0x17: {  	s4 =	simm.s32 $0x1BF5;
	[smem:$0x3FB1] =	sst s0  }
0x18: {  	s0 =	sld [smem:$0x3F94];
	_ =	swait.ge [sflag:s4], $0x0  }
0x19: {  	s7 =	sld [smem:$0x3F95]  }
0x1a: {  	s8 =	sadd.s32 $0xFFFFE003, lr  }
0x1b: {  	s9 =	sadd.s32 $0xFFFFFEF7, lr;
	s5 =	simm.s32 $0xFFFFFFFF;
	p2 =	slt.u32 s8, $0xFFFFF086  }
0x1c: {  	p1 =	slt.u32 s9, $0xF7A;
	s5 =	simm.s32 @!p2 $0x0  }
0x1d: {  	s5 =	simm.s32 @p1 $0x1;
	p0 =	seq.s32 s7, s2  }
0x1e: {  	s7 =	smul.u32 @!p0 $0xF7A, s2;
	p2 =	seq.s32 @!p0 s5, $0x0  }
0x1f: {  	s9 =	smul.u32 $0xF7A, s1;
	s8 =	simm.s32 @!p0 $0x1BF5;
	p2 =	por !p2, p0  }
0x20: {  	[sflag:s8] =	ssyncset.s32 @!p0 $0xFFFFF086;
	s6 =	sadd.s32 @!p0 s3, s7;
	s7 =	simm.s32 @!p0 $0x108  }
0x21: {  	s3 =	sadd.s32 s3, s9;
	s6 =	sadd.s32 @!p0 $0x88, s6;
	s7 =	simm.s32 @p2 $0x1082  }
0x22: {  	[simem:s7], [sflag:s8] =	dma.local @!p0 [hbm:s6], $0xF7A  }
0x23: {  	s9 =	sor.u32 $0xD0000000, s2;
	s6 =	simm.s32 $0x108;
	_ =	swait.ge @!p0 [sflag:s8], $0x0  }
0x24: {  	s3 =	sadd.s32 $0x88, s3;
	s6 =	simm.s32 @!p1 $0x1082;
	[sflag:s4] =	ssyncset.s32 $0xFFFFF086  }
0x25: {  	[simem:s6], [sflag:s4] =	dma.local [hbm:s3], $0xF7A  }
0x26: {  	[smem:$0x3F95] =	sst s1;
	(tag) =	ssettag s2;
	_ =	strace s9  }
0x27: {  	s1 =	sld [smem:$0x3FA5]  }
0x28: {  	s2 =	sld [smem:$0x3FA6]  }
0x29: {  	s4 =	sld [smem:$0x3FA8]  }
0x2a: {  	p0 =	seq.s32 s5, $0x0;
	s5 =	sld [smem:$0x3FA9]  }
0x2b: {  	s6 =	sld [smem:$0x3FAA]  }
0x2c: {  	s7 =	sld [smem:$0x3FAB]  }
0x2d: {  	s3 =	simm.s32 $0x108;
	s8 =	sld [smem:$0x3FAC]  }
0x2e: {  	s3 =	simm.s32 @!p0 $0x1082;
	s9 =	sld [smem:$0x3FAD]  }
0x2f: {  	lr =	sadd.s32 s0, s3;
	s0 =	sld [smem:$0x3FA4]  }
0x30: {  	s3 =	sld [smem:$0x3FA7]  }
0x31: {  	[smem:$0x3FB0] =	sst s10  }
0x32: {  	s10 =	sld [smem:$0x3FAE];
	_ =	sdelay $0x3  }
0x33: {  	p0 =	seq.s32 s10, $0x1;
	s10 =	sld [smem:$0x3FB0];
	_ =	sdelay $0x3  }
0x34: {  	[smem:$0x3FB0] =	sst s10  }
0x35: {  	s10 =	sld [smem:$0x3FAF];
	_ =	sdelay $0x3  }
0x36: {  	p1 =	seq.s32 s10, $0x1;
	s10 =	sld [smem:$0x3FB0];
	_ =	sdelay $0x3  }
0x37: {  	[smem:$0x3FB0] =	sst s10  }
0x38: {  	s10 =	sld [smem:$0x3FB1]  }
0x39: {  	_ = 	snop;
	(pc) =	sbr.ind lr, $3  }
0x3a: {  	_ = 	snop  }
0x3b: {  	_ = 	snop  }
0x3c: {  	p2 =	seq.s32 s10, $0x1;
	s10 =	sld [smem:$0x3FB0]  }
0x3d: {  	_ =	shalt  }
0x3e: {  	_ =	shalt  }
0x3f: {  	_ =	shalt  }
0x40: {  	_ =	shalt  }
0x41: {  	_ =	shalt  }
0x42: {  	_ =	shalt  }
0x43: {  	_ =	shalt  }
0x44: {  	_ =	shalt  }
0x45: {  	_ =	shalt  }
0x46: {  	_ =	shalt  }
0x47: {  	_ =	shalt  }
0x48: {  	_ =	shalt  }
0x49: {  	_ =	shalt  }
0x4a: {  	_ =	shalt  }
0x4b: {  	_ =	shalt  }
0x4c: {  	_ =	shalt  }
0x4d: {  	_ =	shalt  }
0x4e: {  	_ =	shalt  }
0x4f: {  	_ =	shalt  }
0x50: {  	_ =	shalt  }
0x51: {  	_ =	shalt  }
0x52: {  	_ =	shalt  }
0x53: {  	_ =	shalt  }
0x54: {  	_ =	shalt  }
0x55: {  	_ =	shalt  }
0x56: {  	_ =	shalt  }
0x57: {  	_ =	shalt  }
0x58: {  	_ =	shalt  }
0x59: {  	_ =	shalt  }
0x5a: {  	_ =	shalt  }
0x5b: {  	_ =	shalt  }
0x5c: {  	_ =	shalt  }
0x5d: {  	_ =	shalt  }
0x5e: {  	_ =	shalt  }
0x5f: {  	_ =	shalt  }
0x60: {  	_ =	shalt  }
0x61: {  	_ =	shalt  }
0x62: {  	_ =	shalt  }
0x63: {  	_ =	shalt  }
0x64: {  	_ =	shalt  }
0x65: {  	_ =	shalt  }
0x66: {  	_ =	shalt  }
0x67: {  	_ =	shalt  }
0x68: {  	_ =	shalt  }
0x69: {  	_ =	shalt  }
0x6a: {  	_ =	shalt  }
0x6b: {  	_ =	shalt  }
0x6c: {  	_ =	shalt  }
0x6d: {  	_ =	shalt  }
0x6e: {  	_ =	shalt  }
0x6f: {  	_ =	shalt  }
0x70: {  	_ =	shalt  }
0x71: {  	_ =	shalt  }
0x72: {  	_ =	shalt  }
0x73: {  	_ =	shalt  }
0x74: {  	_ =	shalt  }
0x75: {  	_ =	shalt  }
0x76: {  	_ =	shalt  }
0x77: {  	_ =	shalt  }
0x78: {  	_ =	shalt  }
0x79: {  	_ =	shalt  }
0x7a: {  	_ =	shalt  }
0x7b: {  	_ =	shalt  }
0x7c: {  	_ =	shalt  }
0x7d: {  	_ =	shalt  }
0x7e: {  	_ =	shalt  }
0x7f: {  	_ =	shalt  }
0x80: {  	_ =	shalt  }
0x81: {  	_ =	shalt  }
0x82: {  	_ =	shalt  }
0x83: {  	_ =	shalt  }
0x84: {  	_ =	shalt  }
0x85: {  	_ =	shalt  }
0x86: {  	_ =	shalt  }
0x87: {  	_ =	shalt  }
.Lfunc_end0:
.L_simem_size_0:
called_computation_lowered:
.L_overlay_start_0:
0x88: {  	s2 =	sld [smem:$0x3FD9]  }
0x89: {  	s3 =	sld [smem:$0x3FFE];
	_ =	sdelay $0x1  }
0x8a: {  	s1 =	srdreg.scid  }
0x8b: {  	s0 =	sand.u32 $0x1, s1  }
0x8c: {  	s17 =	sshll.u32 s0, $0xA;
	s2 =	sadd.s32 s3, s2  }
0x8d: {  	s2 =	sadd.s32 s2, s17  }
0x8e: {  	[smem:$0x3FBC] =	sst s2  }
0x8f: {  	_ = 	snop  }
0x90: {  	s2 =	sld [smem:$0x3FD0];
	(tm) =	ssettm $0x1  }
0x91: {  	s18 =	sld [smem:$0x3FFB];
	_ =	sdelay $0x3  }
0x92: {  	_ =	strace s18  }
0x93: {  	s3 =	sld [smem:$0x3FFC];
	_ =	sdelay $0x3  }
0x94: {  	_ =	strace s3  }
0x95: {  	s3 =	sld [smem:$0x3FFD];
	_ =	sdelay $0x3  }
0x96: {  	_ =	strace s3  }
0x97: {  	_ =	strace $0x8FFFFFFF  }
0x98: {  	s19 =	sld [smem:$0x3FDB];
	_ =	sdelay $0x1  }
0x99: {  	s4 =	simm.s32 $_scs_section_size  }
0x9a: {  	s5 =	simm.s32 $_size__tile_overlayer_lowered;
	s6 =	simm.s32 $_tile_overlayer_lowered  }
0x9b: {  	s22 =	simm.s32 $0x1BFF;
	s21 =	sshll.u32 s6, $0x1;
	s3 =	sadd.s32 s4, s19  }
0x9c: {  	s7 =	simm.s32 $0x0;
	s20 =	sshll.u32 s5, $0x1;
	s5 =	sadd.s32 s21, s3  }
0x9d: {  	[timem:s7], [sflag:s22] =	dma.local [hbm:s5], s20  }
0x9e: {  	_ =	swait.ge [sflag:s22], s20  }
0x9f: {  	s4 =	ssub.s32 $0x0, s20;
	[sflag:s22] =	ssyncset.done $0x0  }
0xa0: {  	[sflag:s22] =	ssyncadd.s32 s4;
	_ =	sdelay $0x1  }
0xa1: {  	s23 =	simm.s32 $0x1B8B  }
0xa2: {  	_ =	swait.ge [sflag:s23], $0x1  }
0xa3: {  	[sflag:s23] =	ssyncset.done $0x0  }
0xa4: {  	s25 =	simm.s32 $0x1B8E;
	s24 =	sld [smem:$0x3FFE];
	[sflag:s23] =	ssyncadd.s32 $0xFFFFFFFF  }
0xa5: {  	s26 =	simm.s32 $execute0_lowered;
	[smem:$0x3FD2] =	sst s25  }
0xa6: {  	s5 =	sshll.u32 s26, $0x1;
	_ =	strace $0x80000046;
	[dreg:$0x1] =	wrdreg $0xFFFFFFFF  }
0xa7: {  	s28 =	simm.s32 $_size_execute0_lowered;
	s3 =	sadd.s32 s3, s5;
	[dreg:$0x0] =	wrdreg $0x0  }
0xa8: {  	s5 =	sshll.u32 s28, $0x1;
	[dreg:$0x2] =	wrdreg s3  }
0xa9: {  	[dreg:$0x3] =	wrdreg s5  }
0xaa: {  	[dreg:$0x4] =	wrdreg $0xC0  }
0xab: {  	_ =	task [dreg:s7], $0x5FFFF  }
0xac: {  	[dreg:$0x1] =	wrdreg $0xFFFFFFFF  }
0xad: {  	[dreg:$0x0] =	wrdreg $0x60  }
0xae: {  	[dreg:$0x2] =	wrdreg s24  }
0xaf: {  	[dreg:$0x3] =	wrdreg s2  }
0xb0: {  	[dreg:$0x4] =	wrdreg $0x6A000  }
0xb1: {  	[dreg:$0x5] =	wrdreg $0x1A2800  }
0xb2: {  	[dreg:$0x6] =	wrdreg $0x9  }
0xb3: {  	_ =	task.clear_ibuf [dreg:s7], $0x7FFFF;
	_ =	strace $0x90000046  }
0xb4: {  	s29 =	simm.s32 $0x9;
	_ =	strace $0x80000048  }
0xb5: {  	_ =	swait.ge [sflag:s29], $0x1  }
0xb6: {  	[sflag:s29] =	ssyncadd.s32 $0xFFFFFFFF  }
0xb7: {  	_ =	strace $0x90000048  }
0xb8: {  	_ =	sfence  }
0xb9: {  	s30 =	sld [smem:$0x0];
	_ =	sdelay $0x2  }
0xba: {  	s31 =	sshll.u32 s1, $0xD;
	s1 =	sshrl.u32 s1, $0x2  }
0xbb: {  	s3 =	sand.u32 $0x4000, s31;
	s1 =	sadd.s32 s1, s30  }
0xbc: {  	s0 =	sor.u32 s3, s0;
	s1 =	sshll.u32 s1, $0x11  }
0xbd: {  	s0 =	sor.u32 s1, s0  }
0xbe: {  	s0 =	sadd.s32 $0x8F2B, s0  }
0xbf: {  	[sflag:s0] =	ssyncadd.remote.s32 $0x1  }
0xc0: {  	_ =	sfence.sel $0xFFFF  }
0xc1: {  	[dreg:$0x0] =	wrdreg $0xFFFFFFFF;
	(pc) =	sbr.abs _section_cstart, $3  }
0xc2: {  	[dreg:$0x1] =	wrdreg $0xFFFFFFFF  }
0xc3: {  	_ =	task.clear_ibuf [dreg:s7], $0x2FFFF;
	_ =	strace $0x9FFFFFFF  }
0xc4: {  	(tm) =	ssettm $0x7FFFFFFF  }
0xc5: {  	_ =	shalt  }
tec
execute0_lowered:
.L_overlay_start_1:
0x0: {  	(tag) =	ssettag $0x1  }
0x1: {  	s0 =	rddreg [dreg:$0x0]  }
0x2: {  	s1 =	rddreg [dreg:$0x1]  }
0x3: {  	s2 =	rddreg [dreg:$0x2]  }
0x4: {  	s4 =	rddreg [dreg:$0x3]  }
0x5: {  	s5 =	simm.s32 $0x0;
	s19 =	stileid.u32;
	s11 =	srdreg.scid  }
0x6: {  	s28 =	simm.s32 $0x2000;
	s29 =	simm.s32 $0x2;
	s30 =	simm.s32 $0x2080  }
0x7: {  	s31 =	simm.s32 $0x80;
	[smem:$0x7FF] =	sst s5;
	s3 =	smul.u32 $0x13C00, s19  }
0x8: {  	s6 =	sadd.s32 $0x22000, s0;
	s7 =	sadd.s32 $0x4600, s0;
	s10 =	smul.u32 $0x2780, s19  }
0x9: {  	s8 =	sadd.s32 $0x1D000, s0;
	s9 =	sadd.s32 $0x18000, s0;
	s11 =	sand.u32 $0x1, s11  }
0xa: {  	s15 =	sadd.s32 $0xA6200, s0;
	s18 =	sadd.s32 $0x9C400, s0;
	s22 =	smul.u32 $0x278, s19  }
0xb: {  	s25 =	sadd.s32 $0x95280, s0;
	s20 =	smul.u32 $0x4F000, s19;
	p0 =	seq.s32 s19, $0xF  }
0xc: {  	_ =	strace $0x80000047;
	s14 =	ssub.s32 $0x2, s11;
	s17 =	smul.u32 $0x2710, s11  }
0xd: {  	s11 =	scvt.s32.f32 s11;
	[dreg:$0x7] =	wrdreg s25;
	s12 =	sshrl.u32 s3, $0x3  }
0xe: {  	s13 =	sshrl.u32 s10, $0x3;
	s16 =	sshrl.u32 s14, $0x1;
	s3 =	sadd.s32 s3, s2  }
0xf: {  	s10 =	sadd.s32 s10, s4;
	s12 =	sadd.s32 s12, s0;
	s13 =	sadd.s32 s13, s0  }
0x10: {  	s14 =	ssub.s32 s14, s16;
	s24 =	sadd.s32 s22, s17;
	s0 =	sadd.s32 $0x9BE10, s0  }
0x11: {  	s11 =	ssub.f32 $1.000000000e+00, s11;
	s22 =	smul.u32 $0x9E00, s19;
	s3 =	sshrl.u32 @!p0 s3, $0x3  }
0x12: {  	s12 =	sadd.s32 $0x70200, s12;
	s23 =	sadd.s32 $0x97400, s13;
	[dreg:$0x8] =	wrdreg s0  }
0x13: {  	s26 =	sshll.u32 s24, $0x4;
	s13 =	sadd.s32 $0x2508, s17;
	[dreg:$0xe] =	wrdreg s3  }
0x14: {  	s3 =	sshrl.u32 @!p0 s10, $0x3;
	s10 =	simm.s32 $0x2180;
	[dreg:$0x5] =	wrdreg s12  }
0x15: {  	[dreg:$0x6] =	wrdreg s23;
	s0 =	sadd.s32 s15, s26;
	s12 =	sshll.u32 s24, $0x1  }
0x16: {  	s21 =	sshll.u32 s13, $0x4;
	s23 =	ssub.s32 $0x4E1, s19;
	s24 =	sshrl.u32 s20, $0x2  }
0x17: {  	s25 =	sshrl.u32 s22, $0x2;
	s26 =	smax.u32 s14, $0x1;
	[dreg:$0xf] =	wrdreg s3  }
0x18: {  	v0 =	vmov s11;
	s3 =	simm.s32 $0x2200;
	s11 =	simm.s32 $0x1000;
	[dreg:$0x9] =	wrdreg s0  }
0x19: {  	s15 =	sadd.s32 s15, s21;
	s0 =	sshll.u32 s13, $0x1;
	[dreg:$0xd] =	wrdreg s26  }
0x1a: {  	s12 =	sadd.s32 s18, s12;
	s26 =	sshll.u32 s19, $0x7;
	[dreg:$0xa] =	wrdreg s15  }
0x1b: {  	s13 =	simm.s32 $0x6200;
	[dreg:$0xb] =	wrdreg s12;
	s0 =	sadd.s32 s18, s0  }
0x1c: {  	s18 =	sshrl.u32 s23, $0x4;
	[dreg:$0xc] =	wrdreg s0;
	s0 =	sadd.s32 s24, s2  }
0x1d: {  	s12 =	sadd.s32 s25, s4;
	s25 =	sadd.s32 $0x25080, s4;
	s0 =	sshrl.u32 @!p0 s0, $0x3  }
0x1e: {  	s24 =	sadd.s32 $0x128400, s2;
	[dreg:$0x10] =	wrdreg s0;
	s0 =	sshrl.u32 @!p0 s12, $0x3  }
0x1f: {  	vm0 =	vcmask $0x2F18;
	vm1 =	vmmov $0x3f;
	v1 =	vmov s17;
	s12 =	simm.s32 $0x1;
	[dreg:$0x11] =	wrdreg s0;
	s0 =	simm.s32 $0x2100  }
.LBB2_1:
0x20: {  	s15 =	sshrl.u32 @p0 s24, $0x3  }
0x21: {  	s14 =	simm.s32 @p0 $0x1FC2;
	s16 =	rddreg [dreg:$0x7];
	s17 =	simm.s32 @p0 $0x2  }
0x22: {  	[spmem:s15], [sflag:s14] =	dma.local @p0 [hbm:s16], $0x2080  }
0x23: {  	_ =	swait.ge @p0 [sflag:s17], $0x2080  }
0x24: {  	[sflag:s17] =	ssyncset.done @p0 $0x0  }
0x25: {  	s16 =	sshrl.u32 @p0 s25, $0x3;
	s19 =	rddreg [dreg:$0x8];
	[sflag:s17] =	ssyncadd.s32 @p0 $0xFFFFDF80  }
0x26: {  	[spmem:s16], [sflag:s14] =	dma.local @p0 [hbm:s19], $0x410  }
0x27: {  	s14 =	stileid.u32;
	_ =	swait.ge @p0 [sflag:s17], $0x410  }
0x28: {  	s14 =	sshll.u32 @!p0 s14, $0x6;
	[sflag:s17] =	ssyncset.done @p0 $0x0;
	s19 =	rddreg [dreg:$0xe]  }
0x29: {  	s14 =	sor.u32 @!p0 $0x1C02, s14;
	[sflag:s17] =	ssyncadd.s32 @p0 $0xFFFFFBF0;
	s17 =	rddreg [dreg:$0x5]  }
0x2a: {  	[spmem:s19], [sflag:s14] =	dma.local @!p0 [hbm:s17], $0x2780  }
0x2b: {  	s17 =	simm.s32 @!p0 $0x2  }
0x2c: {  	_ =	swait.ge @!p0 [sflag:s17], $0x2780  }
0x2d: {  	[sflag:s17] =	ssyncset.done @!p0 $0x0;
	s19 =	rddreg [dreg:$0x6]  }
0x2e: {  	s20 =	rddreg [dreg:$0xf];
	[sflag:s17] =	ssyncadd.s32 @!p0 $0xFFFFD880  }
0x2f: {  	[spmem:s20], [sflag:s14] =	dma.local @!p0 [hbm:s19], $0x4F0  }
0x30: {  	_ =	swait.ge @!p0 [sflag:s17], $0x4F0  }
0x31: {  	[sflag:s17] =	ssyncset.done @!p0 $0x0  }
0x32: {  	[sflag:s17] =	ssyncadd.s32 @!p0 $0xFFFFFB10  }
0x33: {  	s17 =	simm.s32 $0x0;
	[bflag:$0x0] =	sbarrier.arrive $0xFFFF  }
.LBB2_2:
0x34: {  	s19 =	sshll.u32 s17, $0xB  }
0x35: {  	s19 =	sor.u32 s26, s19  }
0x36: {  	s19 =	sshrl.u32 s19, $0x3  }
0x37: {  	s21 =	simm.s32 $0x0;
	s20 =	sadd.s32 s8, s19  }
0x38: {  	[tilespmem:s28], [sflag:$0x2] =	stream.linear.gather [hbm4b:s20+s21], $0x80, $0x38;
	[tilespmem:$0x1C990] =	vst v63  }
0x39: {  	_ =	swait.ge [sflag:s29], $0x80  }
0x3a: {  	[sflag:s29] =	ssyncset.done $0x0  }
0x3b: {  	s19 =	sadd.s32 s9, s19;
	[sflag:s29] =	ssyncadd.s32 $0xFFFFFF80  }
0x3c: {  	[tilespmem:s30], [sflag:$0x2] =	stream.linear.gather [hbm4b:s19+s21], $0x80, $0x38;
	[tilespmem:$0x1C990] =	vst v63  }
0x3d: {  	_ =	swait.ge [sflag:s29], $0x80  }
0x3e: {  	[sflag:s29] =	ssyncset.done $0x0  }
0x3f: {  	[sflag:s29] =	ssyncadd.s32 $0xFFFFFF80  }
0x40: {  	v2 =	vld [tilespmem:$0x2000]  }
0x41: {  	v3 =	vld [tilespmem:$0x2080]  }
0x42: {  	v4 =	vld [tilespmem:$0x2010]  }
0x43: {  	v5 =	vld [tilespmem:$0x2090]  }
0x44: {  	v6 =	vld [tilespmem:$0x2020]  }
0x45: {  	v7 =	vld [tilespmem:$0x20A0];
	v2 =	vadd.s32 v1, v2  }
0x46: {  	[tilespmem:$0x2100] =	vst v2;
	v2 =	vadd.s32 v1, v3;
	v3 =	vld [tilespmem:$0x2030]  }
0x47: {  	[tilespmem:$0x2180] =	vst v2;
	v2 =	vadd.s32 v1, v4;
	v4 =	vld [tilespmem:$0x20B0]  }
0x48: {  	[tilespmem:$0x2110] =	vst v2;
	v2 =	vadd.s32 v1, v5;
	v5 =	vld [tilespmem:$0x2040]  }
0x49: {  	[tilespmem:$0x2190] =	vst v2;
	v2 =	vadd.s32 v1, v6;
	v6 =	vld [tilespmem:$0x20C0]  }
0x4a: {  	[tilespmem:$0x2120] =	vst v2;
	v2 =	vadd.s32 v1, v7;
	v7 =	vld [tilespmem:$0x2050]  }
0x4b: {  	[tilespmem:$0x21A0] =	vst v2;
	v2 =	vadd.s32 v1, v3;
	v3 =	vld [tilespmem:$0x20D0]  }
0x4c: {  	[tilespmem:$0x2130] =	vst v2;
	v2 =	vadd.s32 v1, v4;
	v4 =	vld [tilespmem:$0x2060]  }
0x4d: {  	[tilespmem:$0x21B0] =	vst v2;
	v2 =	vadd.s32 v1, v5;
	v5 =	vld [tilespmem:$0x20E0]  }
0x4e: {  	[tilespmem:$0x2140] =	vst v2;
	v2 =	vadd.s32 v1, v6;
	v6 =	vld [tilespmem:$0x2070]  }
0x4f: {  	[tilespmem:$0x21C0] =	vst v2;
	v2 =	vadd.s32 v1, v7;
	v7 =	vld [tilespmem:$0x20F0]  }
0x50: {  	[tilespmem:$0x2150] =	vst v2;
	v2 =	vadd.s32 v1, v3  }
0x51: {  	[tilespmem:$0x21D0] =	vst v2;
	v2 =	vadd.s32 v1, v4  }
0x52: {  	[tilespmem:$0x2160] =	vst v2;
	v2 =	vadd.s32 v1, v5  }
0x53: {  	[tilespmem:$0x21E0] =	vst v2;
	v2 =	vadd.s32 v1, v6  }
0x54: {  	[tilespmem:$0x2170] =	vst v2;
	v2 =	vadd.s32 v1, v7  }
0x55: {  	[tilespmem:$0x21F0] =	vst v2  }
0x56: {  	[tilespmem:s3], [sflag:$0x1] =	stream.indirect.gather [hbm4b:s6+s31], $0x80, s0, s31, $0xb8;
	[tilespmem:$0x1C990] =	vst v63  }
0x57: {  	_ = 	snop  }
0x58: {  	[tilespmem:s21], [sflag:$0x1] =	stream.indirect.gather [hbm4b:s1+s31], $0x20, s0, s31, $0xb8;
	[tilespmem:$0x1C990] =	vst v63  }
0x59: {  	_ = 	snop  }
0x5a: {  	[tilespmem:s11], [sflag:$0x1] =	stream.indirect.gather [hbm4b:s7+s31], $0x20, s10, s31, $0xb8;
	[tilespmem:$0x1C990] =	vst v63  }
0x5b: {  	_ =	swait.ge [sflag:s12], $0x4000  }
0x5c: {  	[sflag:s12] =	ssyncset.done $0x0  }
0x5d: {  	[sflag:s12] =	ssyncadd.s32 $0xFFFFC000  }
0x5e: {  	_ =	swait.ge [sflag:s12], $0x1000  }
0x5f: {  	[sflag:s12] =	ssyncset.done $0x0  }
0x60: {  	[sflag:s12] =	ssyncadd.s32 $0xFFFFF000  }
0x61: {  	_ =	swait.ge [sflag:s12], $0x1000  }
0x62: {  	[sflag:s12] =	ssyncset.done $0x0  }
0x63: {  	s23 =	simm.s32 $0x0;
	[sflag:s12] =	ssyncadd.s32 $0xFFFFF000  }
0x64: {  	v2 =	vld [tilespmem:s23+$0x1010]  }
0x65: {  	v3 =	vld [tilespmem:s23+$0x0]  }
0x66: {  	v4 =	vld [tilespmem:s23+$0x10]  }
0x67: {  	v5 =	vld [tilespmem:s23+$0x1000];
	_ =	sdelay $0x3  }
0x68: {  	v2 =	vadd.f32 v2, v4  }
0x69: {  	v3 =	vadd.f32 v5, v3  }
0x6a: {  	v4 =	vmul.f32 $2.000000030e-01, v2  }
0x6b: {  	v5 =	vmul.f32 $2.000000030e-01, v3  }
0x6c: {  	v2 =	vmax.f32 v2, v4  }
0x6d: {  	v3 =	vmax.f32 v3, v5;
	v2 =	vmul.f32 $1.442695020e+00, v2  }
0x6e: {  	v3 =	vmul.f32 $1.442695020e+00, v3  }
0x6f: {  	(erf) = vpow2.f32 v2  }
0x70: {  	(erf) = vpow2.f32 v3;
	_ =	sdelay $0x7  }
0x71: {  	v2 =	vpop (erf)  }
0x72: {  	s22 =	simm.s32 $0x80;
	v4 =	vsel vm0, v2, v0;
	v3 =	vpop (erf)  }
0x73: {  	s20 =	simm.s32 $0x6200;
	s19 =	simm.s32 $0x2240;
	s21 =	simm.s32 $0x2240;
	v4 =	vsel vm1, v3, v4  }
.LBB2_3:
0x74: {  	p1 =	sne.s32 s22, $0x3F80;
	[tilespmem:s20+$0x0] =	vst v4;
	s20 =	sadd.s32 $0x10, s20;
	s21 =	sadd.s32 $0x80, s21  }
0x75: {  	s23 =	smov.u32 s22;
	s22 =	sadd.s32 $0x80, s22;
	v4 =	vld [tilespmem:s19+$0xFFFFFFD0]  }
0x76: {  	v5 =	vld [tilespmem:s19+$0xFFFFFFF0]  }
0x77: {  	v6 =	vld [tilespmem:s19+$0xFFFFFFC0]  }
0x78: {  	v7 =	vld [tilespmem:s19+$0xFFFFFFE0]  }
0x79: {  	v8 =	vld [tilespmem:s19+$0x0]  }
0x7a: {  	v4 =	vmul.f32 v4, v3;
	v9 =	vld [tilespmem:s19+$0x10]  }
0x7b: {  	v5 =	vmul.f32 v5, v3;
	v10 =	vld [tilespmem:s19+$0x20]  }
0x7c: {  	v6 =	vmul.f32 v3, v6;
	[tilespmem:s19+$0xFFFFFFD0] =	vst v4;
	v4 =	vld [tilespmem:s19+$0x30]  }
0x7d: {  	s23 =	sshra.s32 s23, $0x2;
	v3 =	vmul.f32 v7, v3;
	[tilespmem:s19+$0xFFFFFFF0] =	vst v5  }
0x7e: {  	[tilespmem:s19+$0xFFFFFFC0] =	vst v6;
	v5 =	vmul.f32 v8, v2  }
0x7f: {  	[tilespmem:s19+$0xFFFFFFE0] =	vst v3;
	v3 =	vmul.f32 v9, v2  }
0x80: {  	[tilespmem:s19+$0x0] =	vst v5;
	v5 =	vmul.f32 v10, v2  }
0x81: {  	[tilespmem:s19+$0x10] =	vst v3;
	v2 =	vmul.f32 v4, v2  }
0x82: {  	[tilespmem:s19+$0x20] =	vst v5  }
0x83: {  	[tilespmem:s19+$0x30] =	vst v2;
	s19 =	smov.u32 s21  }
0x84: {  	v2 =	vld [tilespmem:s23+$0x1010]  }
0x85: {  	v3 =	vld [tilespmem:s23+$0x0]  }
0x86: {  	v4 =	vld [tilespmem:s23+$0x10]  }
0x87: {  	v5 =	vld [tilespmem:s23+$0x1000];
	_ =	sdelay $0x3  }
0x88: {  	v2 =	vadd.f32 v2, v4  }
0x89: {  	v3 =	vadd.f32 v5, v3  }
0x8a: {  	v4 =	vmul.f32 $2.000000030e-01, v2  }
0x8b: {  	v5 =	vmul.f32 $2.000000030e-01, v3  }
0x8c: {  	v2 =	vmax.f32 v2, v4  }
0x8d: {  	v3 =	vmax.f32 v3, v5;
	v2 =	vmul.f32 $1.442695020e+00, v2  }
0x8e: {  	v3 =	vmul.f32 $1.442695020e+00, v3  }
0x8f: {  	(erf) = vpow2.f32 v2  }
0x90: {  	(erf) = vpow2.f32 v3;
	_ =	sdelay $0x5  }
.Ltmp0:
0x91: {  	(pc) =	sbr.rel @p1 .LBB2_3-.Ltmp0, $4  }
0x92: {  	_ = 	snop  }
0x93: {  	v2 =	vpop (erf)  }
0x94: {  	v4 =	vsel vm0, v2, v0;
	v3 =	vpop (erf)  }
0x95: {  	v4 =	vsel vm1, v3, v4  }
0x96: {  	[tilespmem:s20+$0x0] =	vst v4  }
0x97: {  	v4 =	vld [tilespmem:s19+$0xFFFFFFD0]  }
0x98: {  	v5 =	vld [tilespmem:s19+$0xFFFFFFF0]  }
0x99: {  	v6 =	vld [tilespmem:s19+$0xFFFFFFC0]  }
0x9a: {  	v7 =	vld [tilespmem:s19+$0xFFFFFFE0]  }
0x9b: {  	v8 =	vld [tilespmem:s19+$0x0]  }
0x9c: {  	v10 =	vld [tilespmem:s19+$0x20];
	v4 =	vmul.f32 v4, v3  }
0x9d: {  	v9 =	vld [tilespmem:s19+$0x10];
	v5 =	vmul.f32 v5, v3  }
0x9e: {  	v61 =	vld [tilespmem:s19+$0x30];
	v6 =	vmul.f32 v3, v6;
	[tilespmem:s19+$0xFFFFFFD0] =	vst v4  }
0x9f: {  	v3 =	vmul.f32 v7, v3;
	[tilespmem:s19+$0xFFFFFFF0] =	vst v5  }
0xa0: {  	v62 =	vmul.f32 v8, v2;
	[tilespmem:s19+$0xFFFFFFC0] =	vst v6  }
0xa1: {  	v63 =	vmul.f32 v10, v2;
	[tilespmem:s19+$0xFFFFFFE0] =	vst v3  }
0xa2: {  	v3 =	vmul.f32 v9, v2;
	[tilespmem:s19+$0x0] =	vst v62  }
0xa3: {  	v2 =	vmul.f32 v61, v2;
	[tilespmem:s19+$0x20] =	vst v63  }
0xa4: {  	[tilespmem:s19+$0x10] =	vst v3  }
0xa5: {  	[tilespmem:s19+$0x30] =	vst v2  }
0xa6: {  	[spmem:s2] =	stream.indirect.scatter.add.f32 [tilespmem:s3], [sflag:$0x2], $0x80, s30, s31, $0xb8;
	[tilespmem:$0x1C990] =	vst v63  }
0xa7: {  	_ =	swait.ge [sflag:s29], $0x4000  }
0xa8: {  	p1 =	sne.s32 s17, s18;
	[sflag:s29] =	ssyncset.done $0x0  }
.Ltmp1:
0xa9: {  	[sflag:s29] =	ssyncadd.s32 $0xFFFFC000;
	(pc) =	sbr.rel @p1 .LBB2_2-.Ltmp1, $4  }
0xaa: {  	[spmem:s4] =	stream.indirect.scatter.add.f32 [tilespmem:s13], [sflag:$0x2], $0x10, s30, s31, $0xb8;
	[tilespmem:$0x1C990] =	vst v63  }
0xab: {  	_ =	swait.ge [sflag:s29], $0x800  }
0xac: {  	s23 =	sadd.s32 $0x1, s17;
	[sflag:s29] =	ssyncset.done $0x0  }
0xad: {  	s17 =	smov.u32 s23;
	[sflag:s29] =	ssyncadd.s32 $0xFFFFF800  }
0xae: {  	[bflag:$0x0] =	sbarrier.arrive $0xFFFF  }
0xaf: {  	s17 =	simm.s32 @p0 $0x1FC2;
	s19 =	rddreg [dreg:$0xa]  }
0xb0: {  	[hbm:s19], [sflag:s17] =	dma.local @p0 [spmem:s15], $0x2080  }
0xb1: {  	s15 =	simm.s32 @p0 $0x2  }
0xb2: {  	_ =	swait.ge @p0 [sflag:s15], $0x2080  }
0xb3: {  	[sflag:s15] =	ssyncset.done @p0 $0x0  }
0xb4: {  	s19 =	rddreg [dreg:$0xc];
	[sflag:s15] =	ssyncadd.s32 @p0 $0xFFFFDF80  }
0xb5: {  	[hbm:s19], [sflag:s17] =	dma.local @p0 [spmem:s16], $0x410  }
0xb6: {  	_ =	swait.ge @p0 [sflag:s15], $0x410  }
0xb7: {  	[sflag:s15] =	ssyncset.done @p0 $0x0;
	s16 =	rddreg [dreg:$0x10]  }
0xb8: {  	[sflag:s15] =	ssyncadd.s32 @p0 $0xFFFFFBF0;
	s15 =	rddreg [dreg:$0x9]  }
0xb9: {  	[hbm:s15], [sflag:s14] =	dma.local @!p0 [spmem:s16], $0x2780  }
0xba: {  	s15 =	simm.s32 @!p0 $0x2  }
0xbb: {  	_ =	swait.ge @!p0 [sflag:s15], $0x2780  }
0xbc: {  	[sflag:s15] =	ssyncset.done @!p0 $0x0;
	s16 =	rddreg [dreg:$0xb]  }
0xbd: {  	s17 =	rddreg [dreg:$0x11];
	[sflag:s15] =	ssyncadd.s32 @!p0 $0xFFFFD880  }
0xbe: {  	[hbm:s16], [sflag:s14] =	dma.local @!p0 [spmem:s17], $0x4F0  }
0xbf: {  	_ =	swait.ge @!p0 [sflag:s15], $0x4F0  }
0xc0: {  	s5 =	sadd.s32 $0x1, s5;
	s23 =	rddreg [dreg:$0xd]  }
0xc1: {  	p1 =	sne.s32 s5, s23  }
.Ltmp2:
0xc2: {  	_ = 	snop;
	(pc) =	sbr.rel @p1 .LBB2_1-.Ltmp2, $3  }
0xc3: {  	_ =	sdelay $0x1  }
0xc4: {  	[sflag:s15] =	ssyncset.done @!p0 $0x0  }
0xc5: {  	[sflag:s15] =	ssyncadd.s32 @!p0 $0xFFFFFB10  }
0xc6: {  	_ =	sfence.sel $0x180000  }
0xc7: {  	[bflag:$0x0] =	sbarrier.arrive $0xFFFF  }
0xc8: {  	_ =	strace $0x90000047  }
0xc9: {  	s0 =	stileid.u32;
	[bflag:$0x2] =	sbarrier.arrive $0xFFFF  }
0xca: {  	p0 =	sne.s32 s0, $0x0;
	s0 =	rddreg [dreg:$0x4]  }
0xcb: {  	s0 =	sadd.s32 @!p0 $0x100000, s0  }
0xcc: {  	[sflag:s0] =	ssyncadd.tile.s32 @!p0 $0x1;
	_ =	shalt  }
.Lfunc_end2:
_tile_overlayer_lowered:
.L_overlay_start_2:
0xcd: {  	(tag) =	ssettag $0x2  }
0xce: {  	s0 =	rddreg [dreg:$0x0];
	s2 =	stileid.u32  }
0xcf: {  	s1 =	rddreg [dreg:$0x1];
	p0 =	sne.s32 s2, $0x0  }
0xd0: {  	s3 =	rddreg [dreg:$0x2];
	[bflag:$0x3] =	sbarrier.arrive $0xFFFF;
	s2 =	simm.s32 @!p0 $0x1C02  }
0xd1: {  	[timem:s3], [sflag:s2] =	dma.local @!p0 [hbm:s0], s1  }
0xd2: {  	s0 =	simm.s32 @!p0 $0x2  }
0xd3: {  	_ =	swait.ge @!p0 [sflag:s0], s1  }
0xd4: {  	s1 =	ssub.s32 @!p0 $0x0, s1;
	[sflag:s0] =	ssyncset.done @!p0 $0x0  }
0xd5: {  	[sflag:s0] =	ssyncadd.s32 @!p0 s1  }
0xd6: {  	[bflag:$0x3] =	sbarrier.arrive $0xFFFF  }
0xd7: {  	_ =	shalt  }

</sc_bundles>
